<compile_context>
chip_gen: v7x
topology: tpu7x:2x2x1
jax: 0.10.2.dev20260603
libtpu: 0.0.44.dev20260713+nightly
codegen_flags: <defaults>
</compile_context>

<pallas_src>
import functools

import jax
import jax.numpy as jnp
from jax import lax
from jax.experimental import pallas as pl
from jax.experimental.pallas import tpu as pltpu
from jax.experimental.pallas import tpu_sc as plsc

B, S, D = 4, 4096, 2048
N = B * S
NW = 32
SEG = N // NW
C = 16
NCH = SEG // C
TMAX = NCH + 1


def _prep(attack_mask):
    m = attack_mask.reshape(NW, SEG).astype(jnp.int32)
    p = jnp.arange(SEG, dtype=jnp.int32)[None, :]
    nxw = SEG - jnp.sum(m, axis=1, keepdims=True)
    order = jnp.argsort(m, axis=1, stable=True).astype(jnp.int32)
    permg = order + (jnp.arange(NW, dtype=jnp.int32) * SEG)[:, None]
    lastx = jnp.take_along_axis(permg, jnp.maximum(nxw - 1, 0), axis=1)
    firsta = jnp.take_along_axis(permg, jnp.minimum(nxw, SEG - 1), axis=1)
    ent_x = jnp.where(p >= nxw, lastx, permg).reshape(-1)
    ent_a = jnp.where(p < nxw, firsta, permg).reshape(-1)
    meta = nxw.reshape(2, 16)
    return ent_x, ent_a, meta


NBANK = 3
NGRP = (TMAX + NBANK - 1) // NBANK


def _sc_body(entx, enta, meta, xf, af, out,
             meta_v, ib0, ib1, ib2, b0, b1, b2,
             msem, is0, is1, is2, gs0, gs1, gs2, ss0, ss1, ss2):
    ibufs = (ib0, ib1, ib2)
    bufs = (b0, b1, b2)
    isems = (is0, is1, is2)
    gsems = (gs0, gs1, gs2)
    ssems = (ss0, ss1, ss2)

    c = lax.axis_index("c")
    s = lax.axis_index("s")
    wid = c * 16 + s
    mcp = pltpu.make_async_copy(meta.at[c], meta_v, msem)
    mcp.start()
    mcp.wait()
    mv = meta_v[...]
    nxw = jnp.int32(0)
    for k in range(16):
        nxw = nxw + jnp.where(s == k, mv[k], 0)
    n_xc = (nxw + C - 1) // C
    t = n_xc + (NCH - nxw // C)
    base = wid * SEG

    def ent_off(i):
        is_x = i < n_xc
        chunk = jnp.where(is_x, i, nxw // C + (i - n_xc))
        return is_x, base + chunk * C

    def start_idx(i, bank):
        is_x, off = ent_off(i)

        @pl.when(is_x)
        def _():
            pltpu.make_async_copy(
                entx.at[pl.ds(off, C)], ibufs[bank], isems[bank]).start()

        @pl.when(jnp.logical_not(is_x))
        def _():
            pltpu.make_async_copy(
                enta.at[pl.ds(off, C)], ibufs[bank], isems[bank]).start()

    start_idx(0, 0)

    def group(g, carry):
        for b in range(NBANK):
            i = g * NBANK + b
            nb = (b + 1) % NBANK
            pb = (b + 2) % NBANK

            @pl.when(i < t)
            def _(i=i, b=b, nb=nb, pb=pb):
                pltpu.make_async_copy(
                    entx.at[pl.ds(0, C)], ibufs[b], isems[b]).wait()

                @pl.when(i >= 2)
                def _():
                    pltpu.make_async_copy(
                        bufs[nb], out.at[ibufs[nb]], ssems[nb]).wait()

                @pl.when(i + 1 < t)
                def _():
                    start_idx(i + 1, nb)

                is_x, _ = ent_off(i)

                @pl.when(is_x)
                def _():
                    pltpu.make_async_copy(
                        xf.at[ibufs[b]], bufs[b], gsems[b]).start()

                @pl.when(jnp.logical_not(is_x))
                def _():
                    pltpu.make_async_copy(
                        af.at[ibufs[b]], bufs[b], gsems[b]).start()

                @pl.when(i >= 1)
                def _():
                    pltpu.make_async_copy(
                        xf.at[ibufs[pb]], bufs[pb], gsems[pb]).wait()
                    pltpu.make_async_copy(
                        bufs[pb], out.at[ibufs[pb]], ssems[pb]).start()
        return carry

    lax.fori_loop(0, NGRP, group, 0)

    for b in range(NBANK):
        @pl.when((t - 1) % NBANK == b)
        def _(b=b):
            pltpu.make_async_copy(xf.at[ibufs[b]], bufs[b], gsems[b]).wait()
            pltpu.make_async_copy(bufs[b], out.at[ibufs[b]], ssems[b]).start()
    for b in range(NBANK):
        @pl.when(jnp.logical_or((t - 1) % NBANK == b, (t - 2) % NBANK == b))
        def _(b=b):
            pltpu.make_async_copy(bufs[b], out.at[ibufs[b]], ssems[b]).wait()


@jax.jit
def _sc_select(xf, af, ent_x, ent_a, meta):
    mesh = plsc.VectorSubcoreMesh(core_axis_name="c", subcore_axis_name="s")
    kern = functools.partial(
        pl.kernel,
        out_type=jax.ShapeDtypeStruct((N, D), jnp.float32),
        mesh=mesh,
        scratch_types=(
            [pltpu.VMEM((16,), jnp.int32)]
            + [pltpu.VMEM((C,), jnp.int32) for _ in range(NBANK)]
            + [pltpu.VMEM((C, D), jnp.float32) for _ in range(NBANK)]
            + [pltpu.SemaphoreType.DMA for _ in range(1 + 3 * NBANK)]
        ),
    )(_sc_body)
    return kern(ent_x, ent_a, meta, xf, af)


def kernel(x, attack, attack_mask):
    xf = x.reshape(N, D)
    af = attack.reshape(N, D)
    ent_x, ent_a, meta = _prep(attack_mask)
    out = _sc_select(xf, af, ent_x, ent_a, meta)
    return out.reshape(B, S, D)

# --- scband reference (transcript-rebuilt; emitter-appended) ---
"""Pipeline reference for scband-gdadversary-28887950033628 (READ-ONLY COPY).

The authoritative reference and input builder live on the scoring server;
editing this copy changes nothing except your own understanding.
"""

import jax, jax.numpy as jnp
import numpy as np

B, S, D = 4, 4096, 2048
EPS = 1.0

def _clip_attack(attack, epsilon):
    # mirrors GDAdversary.clip_attack (done under no_grad at init)
    norms = jnp.linalg.norm(attack, axis=-1, keepdims=True)
    scale = jnp.maximum(norms / epsilon, 1.0)
    return attack / scale

def setup_inputs(seed: int = 0) -> dict:
    key = jax.random.key(seed)
    k1, k2, k3 = jax.random.split(key, 3)
    x = jax.random.normal(k1, (B, S, D), dtype=jnp.float32)
    attack_mask = jax.random.randint(k2, (B, S), 0, 2).astype(bool)
    # the torch module initializes attack (possibly loaded) then clips it at init
    attack_raw = jax.random.normal(k3, (B, S, D), dtype=jnp.float32)
    attack = _clip_attack(attack_raw, EPS)
    return {"x": x, "attack": attack, "attack_mask": attack_mask}

def reference(x, attack, attack_mask):
    # forward path where x.shape[1] == attack_mask.shape[1]:
    #   x[attack_mask] = attack[attack_mask]  (masked scatter-overwrite)
    out = jnp.where(attack_mask[:, :, None], attack.astype(x.dtype), x)
    return out

if __name__ == "__main__":
    import jax
    _d = setup_inputs()
    print(jax.jit(kernel)(*tuple(_d.values())))

</pallas_src>

<mosaic_0001>
#map = affine_map<(d0, d1) -> (0)>
#map1 = affine_map<(d0, d1) -> (0, 0)>
module attributes {stable_mosaic.version = 14 : i64} {
  func.func @_sc_body(%arg0: i32, %arg1: i32, %arg2: memref<16384xi32, #tpu.memory_space<hbm>>, %arg3: memref<16384xi32, #tpu.memory_space<hbm>>, %arg4: memref<2x16xi32, #tpu.memory_space<hbm>>, %arg5: memref<16384x2048xf32, #tpu.memory_space<hbm>>, %arg6: memref<16384x2048xf32, #tpu.memory_space<hbm>>, %arg7: memref<16384x2048xf32, #tpu.memory_space<hbm>>, %arg8: memref<16xi32, #tpu.memory_space<vmem>>, %arg9: memref<16xi32, #tpu.memory_space<vmem>>, %arg10: memref<16xi32, #tpu.memory_space<vmem>>, %arg11: memref<16xi32, #tpu.memory_space<vmem>>, %arg12: memref<16x2048xf32, #tpu.memory_space<vmem>>, %arg13: memref<16x2048xf32, #tpu.memory_space<vmem>>, %arg14: memref<16x2048xf32, #tpu.memory_space<vmem>>, %arg15: memref<!tpu.dma_semaphore, #tpu.memory_space<semaphore_mem>>, %arg16: memref<!tpu.dma_semaphore, #tpu.memory_space<semaphore_mem>>, %arg17: memref<!tpu.dma_semaphore, #tpu.memory_space<semaphore_mem>>, %arg18: memref<!tpu.dma_semaphore, #tpu.memory_space<semaphore_mem>>, %arg19: memref<!tpu.dma_semaphore, #tpu.memory_space<semaphore_mem>>, %arg20: memref<!tpu.dma_semaphore, #tpu.memory_space<semaphore_mem>>, %arg21: memref<!tpu.dma_semaphore, #tpu.memory_space<semaphore_mem>>, %arg22: memref<!tpu.dma_semaphore, #tpu.memory_space<semaphore_mem>>, %arg23: memref<!tpu.dma_semaphore, #tpu.memory_space<semaphore_mem>>, %arg24: memref<!tpu.dma_semaphore, #tpu.memory_space<semaphore_mem>>) attributes {dimension_semantics = [#tpu.dimension_semantics<core_parallel>, #tpu.dimension_semantics<subcore_parallel>], iteration_bounds = array<i64: 2, 16>, scalar_prefetch = 0 : i64, scratch_operands = 17 : i64, tpu.core_type = #tpu.core_type<sc_vector_subcore>, window_params = [{transform_indices = #map}, {transform_indices = #map}, {transform_indices = #map1}, {transform_indices = #map1}, {transform_indices = #map1}, {transform_indices = #map1}]} {
    %mul3A = arith.constant 16 : i32
    %mul3A_0 = arith.muli %arg0, %mul3A : i32
    %add3A = arith.addi %mul3A_0, %arg1 : i32
    %dma_start3A = arith.constant 0 : i32
    %dma_start3A_1 = tpu.memref_slice %arg4[%arg0, %dma_start3A] : memref<2x16xi32, #tpu.memory_space<hbm>> -> memref<1x16xi32, #tpu.memory_space<hbm>>
    %dma_start3A_2 = tpu.memref_squeeze %dma_start3A_1 : memref<1x16xi32, #tpu.memory_space<hbm>> -> memref<16xi32, #tpu.memory_space<hbm>>
    %dma_start3A_3 = arith.constant 0 : i32
    %dma_start3A_4 = tpu.memref_slice %arg4[%arg0, %dma_start3A_3] : memref<2x16xi32, #tpu.memory_space<hbm>> -> memref<1x16xi32, #tpu.memory_space<hbm>>
    %dma_start3A_5 = tpu.memref_squeeze %dma_start3A_4 : memref<1x16xi32, #tpu.memory_space<hbm>> -> memref<16xi32, #tpu.memory_space<hbm>>
    tpu.enqueue_dma source(%dma_start3A_5 : memref<16xi32, #tpu.memory_space<hbm>>) target(%arg8 : memref<16xi32, #tpu.memory_space<vmem>>) target_semaphore(%arg15 : memref<!tpu.dma_semaphore, #tpu.memory_space<semaphore_mem>>)
    %dma_wait3A = arith.constant 0 : i32
    %dma_wait3A_6 = tpu.memref_slice %arg4[%arg0, %dma_wait3A] : memref<2x16xi32, #tpu.memory_space<hbm>> -> memref<1x16xi32, #tpu.memory_space<hbm>>
    %dma_wait3A_7 = tpu.memref_squeeze %dma_wait3A_6 : memref<1x16xi32, #tpu.memory_space<hbm>> -> memref<16xi32, #tpu.memory_space<hbm>>
    %dma_wait3A_8 = arith.constant 0 : i32
    %dma_wait3A_9 = tpu.memref_slice %arg4[%arg0, %dma_wait3A_8] : memref<2x16xi32, #tpu.memory_space<hbm>> -> memref<1x16xi32, #tpu.memory_space<hbm>>
    %dma_wait3A_10 = tpu.memref_squeeze %dma_wait3A_9 : memref<1x16xi32, #tpu.memory_space<hbm>> -> memref<16xi32, #tpu.memory_space<hbm>>
    tpu.wait_dma2 semaphore(%arg15 : memref<!tpu.dma_semaphore, #tpu.memory_space<semaphore_mem>>) src(%dma_wait3A_10 : memref<16xi32, #tpu.memory_space<hbm>>) dst(%arg8 : memref<16xi32, #tpu.memory_space<vmem>>)
    %get3A = arith.constant 0 : index
    %get3A_11 = tpu.vector_load %arg8[%get3A] {strides = array<i32>} : memref<16xi32, #tpu.memory_space<vmem>>, vector<16xi32>,
    %get3A_12 = vector.shape_cast %get3A_11 : vector<16xi32> to vector<16xi32>
    %eq3A = arith.constant 0 : i32
    %eq3A_13 = arith.cmpi eq, %arg1, %eq3A : i32
    %slice3A = vector.extract_strided_slice %get3A_12 {offsets = [0], sizes = [1], strides = [1]} : vector<16xi32> to vector<1xi32>
    %squeeze3A = vector.extract %slice3A[0] : i32 from vector<1xi32>
    %jit3A = arith.constant 0 : i32
    %select_n3A = arith.select %eq3A_13, %squeeze3A, %jit3A : i32
    %add3A_14 = arith.constant 0 : i32
    %add3A_15 = arith.addi %add3A_14, %select_n3A : i32
    %eq3A_16 = arith.constant 1 : i32
    %eq3A_17 = arith.cmpi eq, %arg1, %eq3A_16 : i32
    %slice3A_18 = vector.extract_strided_slice %get3A_12 {offsets = [1], sizes = [1], strides = [1]} : vector<16xi32> to vector<1xi32>
    %squeeze3A_19 = vector.extract %slice3A_18[0] : i32 from vector<1xi32>
    %jit3A_20 = arith.constant 0 : i32
    %select_n3A_21 = arith.select %eq3A_17, %squeeze3A_19, %jit3A_20 : i32
    %add3A_22 = arith.addi %add3A_15, %select_n3A_21 : i32
    %eq3A_23 = arith.constant 2 : i32
    %eq3A_24 = arith.cmpi eq, %arg1, %eq3A_23 : i32
    %slice3A_25 = vector.extract_strided_slice %get3A_12 {offsets = [2], sizes = [1], strides = [1]} : vector<16xi32> to vector<1xi32>
    %squeeze3A_26 = vector.extract %slice3A_25[0] : i32 from vector<1xi32>
    %jit3A_27 = arith.constant 0 : i32
    %select_n3A_28 = arith.select %eq3A_24, %squeeze3A_26, %jit3A_27 : i32
    %add3A_29 = arith.addi %add3A_22, %select_n3A_28 : i32
    %eq3A_30 = arith.constant 3 : i32
    %eq3A_31 = arith.cmpi eq, %arg1, %eq3A_30 : i32
    %slice3A_32 = vector.extract_strided_slice %get3A_12 {offsets = [3], sizes = [1], strides = [1]} : vector<16xi32> to vector<1xi32>
    %squeeze3A_33 = vector.extract %slice3A_32[0] : i32 from vector<1xi32>
    %jit3A_34 = arith.constant 0 : i32
    %select_n3A_35 = arith.select %eq3A_31, %squeeze3A_33, %jit3A_34 : i32
    %add3A_36 = arith.addi %add3A_29, %select_n3A_35 : i32
    %eq3A_37 = arith.constant 4 : i32
    %eq3A_38 = arith.cmpi eq, %arg1, %eq3A_37 : i32
    %slice3A_39 = vector.extract_strided_slice %get3A_12 {offsets = [4], sizes = [1], strides = [1]} : vector<16xi32> to vector<1xi32>
    %squeeze3A_40 = vector.extract %slice3A_39[0] : i32 from vector<1xi32>
    %jit3A_41 = arith.constant 0 : i32
    %select_n3A_42 = arith.select %eq3A_38, %squeeze3A_40, %jit3A_41 : i32
    %add3A_43 = arith.addi %add3A_36, %select_n3A_42 : i32
    %eq3A_44 = arith.constant 5 : i32
    %eq3A_45 = arith.cmpi eq, %arg1, %eq3A_44 : i32
    %slice3A_46 = vector.extract_strided_slice %get3A_12 {offsets = [5], sizes = [1], strides = [1]} : vector<16xi32> to vector<1xi32>
    %squeeze3A_47 = vector.extract %slice3A_46[0] : i32 from vector<1xi32>
    %jit3A_48 = arith.constant 0 : i32
    %select_n3A_49 = arith.select %eq3A_45, %squeeze3A_47, %jit3A_48 : i32
    %add3A_50 = arith.addi %add3A_43, %select_n3A_49 : i32
    %eq3A_51 = arith.constant 6 : i32
    %eq3A_52 = arith.cmpi eq, %arg1, %eq3A_51 : i32
    %slice3A_53 = vector.extract_strided_slice %get3A_12 {offsets = [6], sizes = [1], strides = [1]} : vector<16xi32> to vector<1xi32>
    %squeeze3A_54 = vector.extract %slice3A_53[0] : i32 from vector<1xi32>
    %jit3A_55 = arith.constant 0 : i32
    %select_n3A_56 = arith.select %eq3A_52, %squeeze3A_54, %jit3A_55 : i32
    %add3A_57 = arith.addi %add3A_50, %select_n3A_56 : i32
    %eq3A_58 = arith.constant 7 : i32
    %eq3A_59 = arith.cmpi eq, %arg1, %eq3A_58 : i32
    %slice3A_60 = vector.extract_strided_slice %get3A_12 {offsets = [7], sizes = [1], strides = [1]} : vector<16xi32> to vector<1xi32>
    %squeeze3A_61 = vector.extract %slice3A_60[0] : i32 from vector<1xi32>
    %jit3A_62 = arith.constant 0 : i32
    %select_n3A_63 = arith.select %eq3A_59, %squeeze3A_61, %jit3A_62 : i32
    %add3A_64 = arith.addi %add3A_57, %select_n3A_63 : i32
    %eq3A_65 = arith.constant 8 : i32
    %eq3A_66 = arith.cmpi eq, %arg1, %eq3A_65 : i32
    %slice3A_67 = vector.extract_strided_slice %get3A_12 {offsets = [8], sizes = [1], strides = [1]} : vector<16xi32> to vector<1xi32>
    %squeeze3A_68 = vector.extract %slice3A_67[0] : i32 from vector<1xi32>
    %jit3A_69 = arith.constant 0 : i32
    %select_n3A_70 = arith.select %eq3A_66, %squeeze3A_68, %jit3A_69 : i32
    %add3A_71 = arith.addi %add3A_64, %select_n3A_70 : i32
    %eq3A_72 = arith.constant 9 : i32
    %eq3A_73 = arith.cmpi eq, %arg1, %eq3A_72 : i32
    %slice3A_74 = vector.extract_strided_slice %get3A_12 {offsets = [9], sizes = [1], strides = [1]} : vector<16xi32> to vector<1xi32>
    %squeeze3A_75 = vector.extract %slice3A_74[0] : i32 from vector<1xi32>
    %jit3A_76 = arith.constant 0 : i32
    %select_n3A_77 = arith.select %eq3A_73, %squeeze3A_75, %jit3A_76 : i32
    %add3A_78 = arith.addi %add3A_71, %select_n3A_77 : i32
    %eq3A_79 = arith.constant 10 : i32
    %eq3A_80 = arith.cmpi eq, %arg1, %eq3A_79 : i32
    %slice3A_81 = vector.extract_strided_slice %get3A_12 {offsets = [10], sizes = [1], strides = [1]} : vector<16xi32> to vector<1xi32>
    %squeeze3A_82 = vector.extract %slice3A_81[0] : i32 from vector<1xi32>
    %jit3A_83 = arith.constant 0 : i32
    %select_n3A_84 = arith.select %eq3A_80, %squeeze3A_82, %jit3A_83 : i32
    %add3A_85 = arith.addi %add3A_78, %select_n3A_84 : i32
    %eq3A_86 = arith.constant 11 : i32
    %eq3A_87 = arith.cmpi eq, %arg1, %eq3A_86 : i32
    %slice3A_88 = vector.extract_strided_slice %get3A_12 {offsets = [11], sizes = [1], strides = [1]} : vector<16xi32> to vector<1xi32>
    %squeeze3A_89 = vector.extract %slice3A_88[0] : i32 from vector<1xi32>
    %jit3A_90 = arith.constant 0 : i32
    %select_n3A_91 = arith.select %eq3A_87, %squeeze3A_89, %jit3A_90 : i32
    %add3A_92 = arith.addi %add3A_85, %select_n3A_91 : i32
    %eq3A_93 = arith.constant 12 : i32
    %eq3A_94 = arith.cmpi eq, %arg1, %eq3A_93 : i32
    %slice3A_95 = vector.extract_strided_slice %get3A_12 {offsets = [12], sizes = [1], strides = [1]} : vector<16xi32> to vector<1xi32>
    %squeeze3A_96 = vector.extract %slice3A_95[0] : i32 from vector<1xi32>
    %jit3A_97 = arith.constant 0 : i32
    %select_n3A_98 = arith.select %eq3A_94, %squeeze3A_96, %jit3A_97 : i32
    %add3A_99 = arith.addi %add3A_92, %select_n3A_98 : i32
    %eq3A_100 = arith.constant 13 : i32
    %eq3A_101 = arith.cmpi eq, %arg1, %eq3A_100 : i32
    %slice3A_102 = vector.extract_strided_slice %get3A_12 {offsets = [13], sizes = [1], strides = [1]} : vector<16xi32> to vector<1xi32>
    %squeeze3A_103 = vector.extract %slice3A_102[0] : i32 from vector<1xi32>
    %jit3A_104 = arith.constant 0 : i32
    %select_n3A_105 = arith.select %eq3A_101, %squeeze3A_103, %jit3A_104 : i32
    %add3A_106 = arith.addi %add3A_99, %select_n3A_105 : i32
    %eq3A_107 = arith.constant 14 : i32
    %eq3A_108 = arith.cmpi eq, %arg1, %eq3A_107 : i32
    %slice3A_109 = vector.extract_strided_slice %get3A_12 {offsets = [14], sizes = [1], strides = [1]} : vector<16xi32> to vector<1xi32>
    %squeeze3A_110 = vector.extract %slice3A_109[0] : i32 from vector<1xi32>
    %jit3A_111 = arith.constant 0 : i32
    %select_n3A_112 = arith.select %eq3A_108, %squeeze3A_110, %jit3A_111 : i32
    %add3A_113 = arith.addi %add3A_106, %select_n3A_112 : i32
    %eq3A_114 = arith.constant 15 : i32
    %eq3A_115 = arith.cmpi eq, %arg1, %eq3A_114 : i32
    %slice3A_116 = vector.extract_strided_slice %get3A_12 {offsets = [15], sizes = [1], strides = [1]} : vector<16xi32> to vector<1xi32>
    %squeeze3A_117 = vector.extract %slice3A_116[0] : i32 from vector<1xi32>
    %jit3A_118 = arith.constant 0 : i32
    %select_n3A_119 = arith.select %eq3A_115, %squeeze3A_117, %jit3A_118 : i32
    %add3A_120 = arith.addi %add3A_113, %select_n3A_119 : i32
    %add3A_121 = arith.constant 16 : i32
    %add3A_122 = arith.addi %add3A_120, %add3A_121 : i32
    %sub3A = arith.constant 1 : i32
    %sub3A_123 = arith.subi %add3A_122, %sub3A : i32
    %jit3A_124 = arith.constant 16 : i32
    %div3A = arith.divsi %sub3A_123, %jit3A_124 : i32
    %sign3A = arith.constant 0 : i32
    %sign3A_125 = arith.cmpi sgt, %sub3A_123, %sign3A : i32
    %sign3A_126 = arith.extui %sign3A_125 : i1 to i32
    %sign3A_127 = arith.constant 0 : i32
    %sign3A_128 = arith.cmpi slt, %sub3A_123, %sign3A_127 : i32
    %sign3A_129 = arith.extui %sign3A_128 : i1 to i32
    %sign3A_130 = arith.subi %sign3A_126, %sign3A_129 : i32
    %sign3A_131 = arith.constant 0 : i32
    %sign3A_132 = arith.cmpi sgt, %jit3A_124, %sign3A_131 : i32
    %sign3A_133 = arith.extui %sign3A_132 : i1 to i32
    %sign3A_134 = arith.constant 0 : i32
    %sign3A_135 = arith.cmpi slt, %jit3A_124, %sign3A_134 : i32
    %sign3A_136 = arith.extui %sign3A_135 : i1 to i32
    %sign3A_137 = arith.subi %sign3A_133, %sign3A_136 : i32
    %ne3A = arith.cmpi ne, %sign3A_130, %sign3A_137 : i32
    %rem3A = arith.remsi %sub3A_123, %jit3A_124 : i32
    %ne3A_138 = arith.constant 0 : i32
    %ne3A_139 = arith.cmpi ne, %rem3A, %ne3A_138 : i32
    %and3A = arith.andi %ne3A, %ne3A_139 : i1
    %sub3A_140 = arith.constant 1 : i32
    %sub3A_141 = arith.subi %div3A, %sub3A_140 : i32
    %select_n3A_142 = arith.select %and3A, %sub3A_141, %div3A : i32
    %jit3A_143 = arith.constant 16 : i32
    %div3A_144 = arith.divsi %add3A_120, %jit3A_143 : i32
    %sign3A_145 = arith.constant 0 : i32
    %sign3A_146 = arith.cmpi sgt, %add3A_120, %sign3A_145 : i32
    %sign3A_147 = arith.extui %sign3A_146 : i1 to i32
    %sign3A_148 = arith.constant 0 : i32
    %sign3A_149 = arith.cmpi slt, %add3A_120, %sign3A_148 : i32
    %sign3A_150 = arith.extui %sign3A_149 : i1 to i32
    %sign3A_151 = arith.subi %sign3A_147, %sign3A_150 : i32
    %sign3A_152 = arith.constant 0 : i32
    %sign3A_153 = arith.cmpi sgt, %jit3A_143, %sign3A_152 : i32
    %sign3A_154 = arith.extui %sign3A_153 : i1 to i32
    %sign3A_155 = arith.constant 0 : i32
    %sign3A_156 = arith.cmpi slt, %jit3A_143, %sign3A_155 : i32
    %sign3A_157 = arith.extui %sign3A_156 : i1 to i32
    %sign3A_158 = arith.subi %sign3A_154, %sign3A_157 : i32
    %ne3A_159 = arith.cmpi ne, %sign3A_151, %sign3A_158 : i32
    %rem3A_160 = arith.remsi %add3A_120, %jit3A_143 : i32
    %ne3A_161 = arith.constant 0 : i32
    %ne3A_162 = arith.cmpi ne, %rem3A_160, %ne3A_161 : i32
    %and3A_163 = arith.andi %ne3A_159, %ne3A_162 : i1
    %sub3A_164 = arith.constant 1 : i32
    %sub3A_165 = arith.subi %div3A_144, %sub3A_164 : i32
    %select_n3A_166 = arith.select %and3A_163, %sub3A_165, %div3A_144 : i32
    %sub3A_167 = arith.constant 32 : i32
    %sub3A_168 = arith.subi %sub3A_167, %select_n3A_166 : i32
    %add3A_169 = arith.addi %select_n3A_142, %sub3A_168 : i32
    %mul3A_170 = arith.constant 512 : i32
    %mul3A_171 = arith.muli %add3A, %mul3A_170 : i32
    %gt3A = arith.constant 0 : i32
    %gt3A_172 = arith.cmpi sgt, %select_n3A_142, %gt3A : i32
    %jit3A_173 = arith.constant 16 : i32
    %div3A_174 = arith.divsi %add3A_120, %jit3A_173 : i32
    %sign3A_175 = arith.constant 0 : i32
    %sign3A_176 = arith.cmpi sgt, %add3A_120, %sign3A_175 : i32
    %sign3A_177 = arith.extui %sign3A_176 : i1 to i32
    %sign3A_178 = arith.constant 0 : i32
    %sign3A_179 = arith.cmpi slt, %add3A_120, %sign3A_178 : i32
    %sign3A_180 = arith.extui %sign3A_179 : i1 to i32
    %sign3A_181 = arith.subi %sign3A_177, %sign3A_180 : i32
    %sign3A_182 = arith.constant 0 : i32
    %sign3A_183 = arith.cmpi sgt, %jit3A_173, %sign3A_182 : i32
    %sign3A_184 = arith.extui %sign3A_183 : i1 to i32
    %sign3A_185 = arith.constant 0 : i32
    %sign3A_186 = arith.cmpi slt, %jit3A_173, %sign3A_185 : i32
    %sign3A_187 = arith.extui %sign3A_186 : i1 to i32
    %sign3A_188 = arith.subi %sign3A_184, %sign3A_187 : i32
    %ne3A_189 = arith.cmpi ne, %sign3A_181, %sign3A_188 : i32
    %rem3A_190 = arith.remsi %add3A_120, %jit3A_173 : i32
    %ne3A_191 = arith.constant 0 : i32
    %ne3A_192 = arith.cmpi ne, %rem3A_190, %ne3A_191 : i32
    %and3A_193 = arith.andi %ne3A_189, %ne3A_192 : i1
    %sub3A_194 = arith.constant 1 : i32
    %sub3A_195 = arith.subi %div3A_174, %sub3A_194 : i32
    %select_n3A_196 = arith.select %and3A_193, %sub3A_195, %div3A_174 : i32
    %sub3A_197 = arith.constant 0 : i32
    %sub3A_198 = arith.subi %sub3A_197, %select_n3A_142 : i32
    %add3A_199 = arith.addi %select_n3A_196, %sub3A_198 : i32
    %jit3A_200 = arith.constant 0 : i32
    %select_n3A_201 = arith.select %gt3A_172, %jit3A_200, %add3A_199 : i32
    %mul3A_202 = arith.constant 16 : i32
    %mul3A_203 = arith.muli %select_n3A_201, %mul3A_202 : i32
    %add3A_204 = arith.addi %mul3A_171, %mul3A_203 : i32
    %convert_element_type3A = arith.extui %gt3A_172 : i1 to i32
    %cond3A = arith.constant 0 : i32
    %cond3A_205 = arith.cmpi ne, %convert_element_type3A, %cond3A : i32
    scf.if %cond3A_205 {
      %dma_start3A_414 = tpu.memref_slice %arg2[%add3A_204] : memref<16384xi32, #tpu.memory_space<hbm>> -> memref<16xi32, #tpu.memory_space<hbm>>
      %dma_start3A_415 = tpu.memref_slice %arg2[%add3A_204] : memref<16384xi32, #tpu.memory_space<hbm>> -> memref<16xi32, #tpu.memory_space<hbm>>
      tpu.enqueue_dma source(%dma_start3A_415 : memref<16xi32, #tpu.memory_space<hbm>>) target(%arg9 : memref<16xi32, #tpu.memory_space<vmem>>) target_semaphore(%arg16 : memref<!tpu.dma_semaphore, #tpu.memory_space<semaphore_mem>>)
    } else {
    }
    %not3A = arith.constant true
    %not3A_206 = arith.xori %gt3A_172, %not3A : i1
    %convert_element_type3A_207 = arith.extui %not3A_206 : i1 to i32
    %cond3A_208 = arith.constant 0 : i32
    %cond3A_209 = arith.cmpi ne, %convert_element_type3A_207, %cond3A_208 : i32
    scf.if %cond3A_209 {
      %dma_start3A_414 = tpu.memref_slice %arg3[%add3A_204] : memref<16384xi32, #tpu.memory_space<hbm>> -> memref<16xi32, #tpu.memory_space<hbm>>
      %dma_start3A_415 = tpu.memref_slice %arg3[%add3A_204] : memref<16384xi32, #tpu.memory_space<hbm>> -> memref<16xi32, #tpu.memory_space<hbm>>
      tpu.enqueue_dma source(%dma_start3A_415 : memref<16xi32, #tpu.memory_space<hbm>>) target(%arg9 : memref<16xi32, #tpu.memory_space<vmem>>) target_semaphore(%arg16 : memref<!tpu.dma_semaphore, #tpu.memory_space<semaphore_mem>>)
    } else {
    }
    %scan3A = arith.constant 0 : i32
    %scan3A_210 = arith.constant 0 : i32
    %scan3A_211 = arith.constant 11 : i32
    %scan3A_212 = arith.addi %scan3A_210, %scan3A_211 : i32
    %scan3A_213 = arith.constant 1 : i32
    scf.for %scan3A_414 = %scan3A_210 to %scan3A_212 step %scan3A_213  : i32 {
      %mul3A_415 = arith.constant 3 : i32
      %mul3A_416 = arith.muli %scan3A_414, %mul3A_415 : i32
      %add3A_417 = arith.constant 0 : i32
      %add3A_418 = arith.addi %mul3A_416, %add3A_417 : i32
      %lt3A_419 = arith.cmpi slt, %add3A_418, %add3A_169 : i32
      %convert_element_type3A_420 = arith.extui %lt3A_419 : i1 to i32
      %cond3A_421 = arith.constant 0 : i32
      %cond3A_422 = arith.cmpi ne, %convert_element_type3A_420, %cond3A_421 : i32
      scf.if %cond3A_422 {
        %dma_wait3A_439 = arith.constant 0 : i32
        %dma_wait3A_440 = tpu.memref_slice %arg2[%dma_wait3A_439] : memref<16384xi32, #tpu.memory_space<hbm>> -> memref<16xi32, #tpu.memory_space<hbm>>
        %dma_wait3A_441 = arith.constant 0 : i32
        %dma_wait3A_442 = tpu.memref_slice %arg2[%dma_wait3A_441] : memref<16384xi32, #tpu.memory_space<hbm>> -> memref<16xi32, #tpu.memory_space<hbm>>
        tpu.wait_dma2 semaphore(%arg16 : memref<!tpu.dma_semaphore, #tpu.memory_space<semaphore_mem>>) src(%dma_wait3A_442 : memref<16xi32, #tpu.memory_space<hbm>>) dst(%arg9 : memref<16xi32, #tpu.memory_space<vmem>>)
        %ge3A = arith.constant 2 : i32
        %ge3A_443 = arith.cmpi sge, %add3A_418, %ge3A : i32
        %convert_element_type3A_444 = arith.extui %ge3A_443 : i1 to i32
        %cond3A_445 = arith.constant 0 : i32
        %cond3A_446 = arith.cmpi ne, %convert_element_type3A_444, %cond3A_445 : i32
        scf.if %cond3A_446 {
          %dma_wait3A_497 = arith.constant 0 : i32
          %dma_wait3A_498 = arith.constant 0 : i32
          %dma_wait3A_499 = tpu.memref_slice %arg7[%dma_wait3A_497, %dma_wait3A_498] : memref<16384x2048xf32, #tpu.memory_space<hbm>> -> memref<16384x2048xf32, #tpu.memory_space<hbm>>
          tpu.wait_indirect_dma semaphore(%arg23 : memref<!tpu.dma_semaphore, #tpu.memory_space<semaphore_mem>>) src(%arg13 : memref<16x2048xf32, #tpu.memory_space<vmem>>) dst(%dma_wait3A_499 : memref<16384x2048xf32, #tpu.memory_space<hbm>>)
        } else {
        }
        %add3A_447 = arith.constant 1 : i32
        %add3A_448 = arith.addi %add3A_418, %add3A_447 : i32
        %lt3A_449 = arith.cmpi slt, %add3A_448, %add3A_169 : i32
        %convert_element_type3A_450 = arith.extui %lt3A_449 : i1 to i32
        %cond3A_451 = arith.constant 0 : i32
        %cond3A_452 = arith.cmpi ne, %convert_element_type3A_450, %cond3A_451 : i32
        scf.if %cond3A_452 {
          %add3A_497 = arith.constant 1 : i32
          %add3A_498 = arith.addi %add3A_418, %add3A_497 : i32
          %lt3A_499 = arith.cmpi slt, %add3A_498, %select_n3A_142 : i32
          %jit3A_500 = arith.constant 16 : i32
          %div3A_501 = arith.divsi %add3A_120, %jit3A_500 : i32
          %sign3A_502 = arith.constant 0 : i32
          %sign3A_503 = arith.cmpi sgt, %add3A_120, %sign3A_502 : i32
          %sign3A_504 = arith.extui %sign3A_503 : i1 to i32
          %sign3A_505 = arith.constant 0 : i32
          %sign3A_506 = arith.cmpi slt, %add3A_120, %sign3A_505 : i32
          %sign3A_507 = arith.extui %sign3A_506 : i1 to i32
          %sign3A_508 = arith.subi %sign3A_504, %sign3A_507 : i32
          %sign3A_509 = arith.constant 0 : i32
          %sign3A_510 = arith.cmpi sgt, %jit3A_500, %sign3A_509 : i32
          %sign3A_511 = arith.extui %sign3A_510 : i1 to i32
          %sign3A_512 = arith.constant 0 : i32
          %sign3A_513 = arith.cmpi slt, %jit3A_500, %sign3A_512 : i32
          %sign3A_514 = arith.extui %sign3A_513 : i1 to i32
          %sign3A_515 = arith.subi %sign3A_511, %sign3A_514 : i32
          %ne3A_516 = arith.cmpi ne, %sign3A_508, %sign3A_515 : i32
          %rem3A_517 = arith.remsi %add3A_120, %jit3A_500 : i32
          %ne3A_518 = arith.constant 0 : i32
          %ne3A_519 = arith.cmpi ne, %rem3A_517, %ne3A_518 : i32
          %and3A_520 = arith.andi %ne3A_516, %ne3A_519 : i1
          %sub3A_521 = arith.constant 1 : i32
          %sub3A_522 = arith.subi %div3A_501, %sub3A_521 : i32
          %select_n3A_523 = arith.select %and3A_520, %sub3A_522, %div3A_501 : i32
          %sub3A_524 = arith.subi %add3A_498, %select_n3A_142 : i32
          %add3A_525 = arith.addi %select_n3A_523, %sub3A_524 : i32
          %select_n3A_526 = arith.select %lt3A_499, %add3A_498, %add3A_525 : i32
          %mul3A_527 = arith.constant 16 : i32
          %mul3A_528 = arith.muli %select_n3A_526, %mul3A_527 : i32
          %add3A_529 = arith.addi %mul3A_171, %mul3A_528 : i32
          %convert_element_type3A_530 = arith.extui %lt3A_499 : i1 to i32
          %cond3A_531 = arith.constant 0 : i32
          %cond3A_532 = arith.cmpi ne, %convert_element_type3A_530, %cond3A_531 : i32
          scf.if %cond3A_532 {
            %dma_start3A_538 = tpu.memref_slice %arg2[%add3A_529] : memref<16384xi32, #tpu.memory_space<hbm>> -> memref<16xi32, #tpu.memory_space<hbm>>
            %dma_start3A_539 = tpu.memref_slice %arg2[%add3A_529] : memref<16384xi32, #tpu.memory_space<hbm>> -> memref<16xi32, #tpu.memory_space<hbm>>
            tpu.enqueue_dma source(%dma_start3A_539 : memref<16xi32, #tpu.memory_space<hbm>>) target(%arg10 : memref<16xi32, #tpu.memory_space<vmem>>) target_semaphore(%arg17 : memref<!tpu.dma_semaphore, #tpu.memory_space<semaphore_mem>>)
          } else {
          }
          %not3A_533 = arith.constant true
          %not3A_534 = arith.xori %lt3A_499, %not3A_533 : i1
          %convert_element_type3A_535 = arith.extui %not3A_534 : i1 to i32
          %cond3A_536 = arith.constant 0 : i32
          %cond3A_537 = arith.cmpi ne, %convert_element_type3A_535, %cond3A_536 : i32
          scf.if %cond3A_537 {
            %dma_start3A_538 = tpu.memref_slice %arg3[%add3A_529] : memref<16384xi32, #tpu.memory_space<hbm>> -> memref<16xi32, #tpu.memory_space<hbm>>
            %dma_start3A_539 = tpu.memref_slice %arg3[%add3A_529] : memref<16384xi32, #tpu.memory_space<hbm>> -> memref<16xi32, #tpu.memory_space<hbm>>
            tpu.enqueue_dma source(%dma_start3A_539 : memref<16xi32, #tpu.memory_space<hbm>>) target(%arg10 : memref<16xi32, #tpu.memory_space<vmem>>) target_semaphore(%arg17 : memref<!tpu.dma_semaphore, #tpu.memory_space<semaphore_mem>>)
          } else {
          }
        } else {
        }
        %lt3A_453 = arith.cmpi slt, %add3A_418, %select_n3A_142 : i32
        %jit3A_454 = arith.constant 16 : i32
        %div3A_455 = arith.divsi %add3A_120, %jit3A_454 : i32
        %sign3A_456 = arith.constant 0 : i32
        %sign3A_457 = arith.cmpi sgt, %add3A_120, %sign3A_456 : i32
        %sign3A_458 = arith.extui %sign3A_457 : i1 to i32
        %sign3A_459 = arith.constant 0 : i32
        %sign3A_460 = arith.cmpi slt, %add3A_120, %sign3A_459 : i32
        %sign3A_461 = arith.extui %sign3A_460 : i1 to i32
        %sign3A_462 = arith.subi %sign3A_458, %sign3A_461 : i32
        %sign3A_463 = arith.constant 0 : i32
        %sign3A_464 = arith.cmpi sgt, %jit3A_454, %sign3A_463 : i32
        %sign3A_465 = arith.extui %sign3A_464 : i1 to i32
        %sign3A_466 = arith.constant 0 : i32
        %sign3A_467 = arith.cmpi slt, %jit3A_454, %sign3A_466 : i32
        %sign3A_468 = arith.extui %sign3A_467 : i1 to i32
        %sign3A_469 = arith.subi %sign3A_465, %sign3A_468 : i32
        %ne3A_470 = arith.cmpi ne, %sign3A_462, %sign3A_469 : i32
        %rem3A_471 = arith.remsi %add3A_120, %jit3A_454 : i32
        %ne3A_472 = arith.constant 0 : i32
        %ne3A_473 = arith.cmpi ne, %rem3A_471, %ne3A_472 : i32
        %and3A_474 = arith.andi %ne3A_470, %ne3A_473 : i1
        %sub3A_475 = arith.constant 1 : i32
        %sub3A_476 = arith.subi %div3A_455, %sub3A_475 : i32
        %select_n3A_477 = arith.select %and3A_474, %sub3A_476, %div3A_455 : i32
        %sub3A_478 = arith.subi %add3A_418, %select_n3A_142 : i32
        %add3A_479 = arith.addi %select_n3A_477, %sub3A_478 : i32
        %select_n3A_480 = arith.select %lt3A_453, %add3A_418, %add3A_479 : i32
        %mul3A_481 = arith.constant 16 : i32
        %mul3A_482 = arith.muli %select_n3A_480, %mul3A_481 : i32
        %add3A_483 = arith.addi %mul3A_171, %mul3A_482 : i32
        %convert_element_type3A_484 = arith.extui %lt3A_453 : i1 to i32
        %cond3A_485 = arith.constant 0 : i32
        %cond3A_486 = arith.cmpi ne, %convert_element_type3A_484, %cond3A_485 : i32
        scf.if %cond3A_486 {
          %dma_start3A_497 = arith.constant 0 : i32
          %dma_start3A_498 = arith.constant 0 : i32
          %dma_start3A_499 = tpu.memref_slice %arg5[%dma_start3A_497, %dma_start3A_498] : memref<16384x2048xf32, #tpu.memory_space<hbm>> -> memref<16384x2048xf32, #tpu.memory_space<hbm>>
          tpu.enqueue_indirect_dma source(%dma_start3A_499 : memref<16384x2048xf32, #tpu.memory_space<hbm>>) target(%arg12 : memref<16x2048xf32, #tpu.memory_space<vmem>>) offsets(%arg9 : memref<16xi32, #tpu.memory_space<vmem>>) semaphore(%arg19 : memref<!tpu.dma_semaphore, #tpu.memory_space<semaphore_mem>>)
        } else {
        }
        %not3A_487 = arith.constant true
        %not3A_488 = arith.xori %lt3A_453, %not3A_487 : i1
        %convert_element_type3A_489 = arith.extui %not3A_488 : i1 to i32
        %cond3A_490 = arith.constant 0 : i32
        %cond3A_491 = arith.cmpi ne, %convert_element_type3A_489, %cond3A_490 : i32
        scf.if %cond3A_491 {
          %dma_start3A_497 = arith.constant 0 : i32
          %dma_start3A_498 = arith.constant 0 : i32
          %dma_start3A_499 = tpu.memref_slice %arg6[%dma_start3A_497, %dma_start3A_498] : memref<16384x2048xf32, #tpu.memory_space<hbm>> -> memref<16384x2048xf32, #tpu.memory_space<hbm>>
          tpu.enqueue_indirect_dma source(%dma_start3A_499 : memref<16384x2048xf32, #tpu.memory_space<hbm>>) target(%arg12 : memref<16x2048xf32, #tpu.memory_space<vmem>>) offsets(%arg9 : memref<16xi32, #tpu.memory_space<vmem>>) semaphore(%arg19 : memref<!tpu.dma_semaphore, #tpu.memory_space<semaphore_mem>>)
        } else {
        }
        %ge3A_492 = arith.constant 1 : i32
        %ge3A_493 = arith.cmpi sge, %add3A_418, %ge3A_492 : i32
        %convert_element_type3A_494 = arith.extui %ge3A_493 : i1 to i32
        %cond3A_495 = arith.constant 0 : i32
        %cond3A_496 = arith.cmpi ne, %convert_element_type3A_494, %cond3A_495 : i32
        scf.if %cond3A_496 {
          %dma_wait3A_497 = arith.constant 0 : i32
          %dma_wait3A_498 = arith.constant 0 : i32
          %dma_wait3A_499 = tpu.memref_slice %arg5[%dma_wait3A_497, %dma_wait3A_498] : memref<16384x2048xf32, #tpu.memory_space<hbm>> -> memref<16384x2048xf32, #tpu.memory_space<hbm>>
          tpu.wait_indirect_dma semaphore(%arg21 : memref<!tpu.dma_semaphore, #tpu.memory_space<semaphore_mem>>) src(%dma_wait3A_499 : memref<16384x2048xf32, #tpu.memory_space<hbm>>) dst(%arg14 : memref<16x2048xf32, #tpu.memory_space<vmem>>)
          %dma_start3A_500 = arith.constant 0 : i32
          %dma_start3A_501 = arith.constant 0 : i32
          %dma_start3A_502 = tpu.memref_slice %arg7[%dma_start3A_500, %dma_start3A_501] : memref<16384x2048xf32, #tpu.memory_space<hbm>> -> memref<16384x2048xf32, #tpu.memory_space<hbm>>
          tpu.enqueue_indirect_dma source(%arg14 : memref<16x2048xf32, #tpu.memory_space<vmem>>) target(%dma_start3A_502 : memref<16384x2048xf32, #tpu.memory_space<hbm>>) offsets(%arg11 : memref<16xi32, #tpu.memory_space<vmem>>) semaphore(%arg24 : memref<!tpu.dma_semaphore, #tpu.memory_space<semaphore_mem>>)
        } else {
        }
      } else {
      }
      %mul3A_423 = arith.constant 3 : i32
      %mul3A_424 = arith.muli %scan3A_414, %mul3A_423 : i32
      %add3A_425 = arith.constant 1 : i32
      %add3A_426 = arith.addi %mul3A_424, %add3A_425 : i32
      %lt3A_427 = arith.cmpi slt, %add3A_426, %add3A_169 : i32
      %convert_element_type3A_428 = arith.extui %lt3A_427 : i1 to i32
      %cond3A_429 = arith.constant 0 : i32
      %cond3A_430 = arith.cmpi ne, %convert_element_type3A_428, %cond3A_429 : i32
      scf.if %cond3A_430 {
        %dma_wait3A_439 = arith.constant 0 : i32
        %dma_wait3A_440 = tpu.memref_slice %arg2[%dma_wait3A_439] : memref<16384xi32, #tpu.memory_space<hbm>> -> memref<16xi32, #tpu.memory_space<hbm>>
        %dma_wait3A_441 = arith.constant 0 : i32
        %dma_wait3A_442 = tpu.memref_slice %arg2[%dma_wait3A_441] : memref<16384xi32, #tpu.memory_space<hbm>> -> memref<16xi32, #tpu.memory_space<hbm>>
        tpu.wait_dma2 semaphore(%arg17 : memref<!tpu.dma_semaphore, #tpu.memory_space<semaphore_mem>>) src(%dma_wait3A_442 : memref<16xi32, #tpu.memory_space<hbm>>) dst(%arg10 : memref<16xi32, #tpu.memory_space<vmem>>)
        %ge3A = arith.constant 2 : i32
        %ge3A_443 = arith.cmpi sge, %add3A_426, %ge3A : i32
        %convert_element_type3A_444 = arith.extui %ge3A_443 : i1 to i32
        %cond3A_445 = arith.constant 0 : i32
        %cond3A_446 = arith.cmpi ne, %convert_element_type3A_444, %cond3A_445 : i32
        scf.if %cond3A_446 {
          %dma_wait3A_497 = arith.constant 0 : i32
          %dma_wait3A_498 = arith.constant 0 : i32
          %dma_wait3A_499 = tpu.memref_slice %arg7[%dma_wait3A_497, %dma_wait3A_498] : memref<16384x2048xf32, #tpu.memory_space<hbm>> -> memref<16384x2048xf32, #tpu.memory_space<hbm>>
          tpu.wait_indirect_dma semaphore(%arg24 : memref<!tpu.dma_semaphore, #tpu.memory_space<semaphore_mem>>) src(%arg14 : memref<16x2048xf32, #tpu.memory_space<vmem>>) dst(%dma_wait3A_499 : memref<16384x2048xf32, #tpu.memory_space<hbm>>)
        } else {
        }
        %add3A_447 = arith.constant 1 : i32
        %add3A_448 = arith.addi %add3A_426, %add3A_447 : i32
        %lt3A_449 = arith.cmpi slt, %add3A_448, %add3A_169 : i32
        %convert_element_type3A_450 = arith.extui %lt3A_449 : i1 to i32
        %cond3A_451 = arith.constant 0 : i32
        %cond3A_452 = arith.cmpi ne, %convert_element_type3A_450, %cond3A_451 : i32
        scf.if %cond3A_452 {
          %add3A_497 = arith.constant 1 : i32
          %add3A_498 = arith.addi %add3A_426, %add3A_497 : i32
          %lt3A_499 = arith.cmpi slt, %add3A_498, %select_n3A_142 : i32
          %jit3A_500 = arith.constant 16 : i32
          %div3A_501 = arith.divsi %add3A_120, %jit3A_500 : i32
          %sign3A_502 = arith.constant 0 : i32
          %sign3A_503 = arith.cmpi sgt, %add3A_120, %sign3A_502 : i32
          %sign3A_504 = arith.extui %sign3A_503 : i1 to i32
          %sign3A_505 = arith.constant 0 : i32
          %sign3A_506 = arith.cmpi slt, %add3A_120, %sign3A_505 : i32
          %sign3A_507 = arith.extui %sign3A_506 : i1 to i32
          %sign3A_508 = arith.subi %sign3A_504, %sign3A_507 : i32
          %sign3A_509 = arith.constant 0 : i32
          %sign3A_510 = arith.cmpi sgt, %jit3A_500, %sign3A_509 : i32
          %sign3A_511 = arith.extui %sign3A_510 : i1 to i32
          %sign3A_512 = arith.constant 0 : i32
          %sign3A_513 = arith.cmpi slt, %jit3A_500, %sign3A_512 : i32
          %sign3A_514 = arith.extui %sign3A_513 : i1 to i32
          %sign3A_515 = arith.subi %sign3A_511, %sign3A_514 : i32
          %ne3A_516 = arith.cmpi ne, %sign3A_508, %sign3A_515 : i32
          %rem3A_517 = arith.remsi %add3A_120, %jit3A_500 : i32
          %ne3A_518 = arith.constant 0 : i32
          %ne3A_519 = arith.cmpi ne, %rem3A_517, %ne3A_518 : i32
          %and3A_520 = arith.andi %ne3A_516, %ne3A_519 : i1
          %sub3A_521 = arith.constant 1 : i32
          %sub3A_522 = arith.subi %div3A_501, %sub3A_521 : i32
          %select_n3A_523 = arith.select %and3A_520, %sub3A_522, %div3A_501 : i32
          %sub3A_524 = arith.subi %add3A_498, %select_n3A_142 : i32
          %add3A_525 = arith.addi %select_n3A_523, %sub3A_524 : i32
          %select_n3A_526 = arith.select %lt3A_499, %add3A_498, %add3A_525 : i32
          %mul3A_527 = arith.constant 16 : i32
          %mul3A_528 = arith.muli %select_n3A_526, %mul3A_527 : i32
          %add3A_529 = arith.addi %mul3A_171, %mul3A_528 : i32
          %convert_element_type3A_530 = arith.extui %lt3A_499 : i1 to i32
          %cond3A_531 = arith.constant 0 : i32
          %cond3A_532 = arith.cmpi ne, %convert_element_type3A_530, %cond3A_531 : i32
          scf.if %cond3A_532 {
            %dma_start3A_538 = tpu.memref_slice %arg2[%add3A_529] : memref<16384xi32, #tpu.memory_space<hbm>> -> memref<16xi32, #tpu.memory_space<hbm>>
            %dma_start3A_539 = tpu.memref_slice %arg2[%add3A_529] : memref<16384xi32, #tpu.memory_space<hbm>> -> memref<16xi32, #tpu.memory_space<hbm>>
            tpu.enqueue_dma source(%dma_start3A_539 : memref<16xi32, #tpu.memory_space<hbm>>) target(%arg11 : memref<16xi32, #tpu.memory_space<vmem>>) target_semaphore(%arg18 : memref<!tpu.dma_semaphore, #tpu.memory_space<semaphore_mem>>)
          } else {
          }
          %not3A_533 = arith.constant true
          %not3A_534 = arith.xori %lt3A_499, %not3A_533 : i1
          %convert_element_type3A_535 = arith.extui %not3A_534 : i1 to i32
          %cond3A_536 = arith.constant 0 : i32
          %cond3A_537 = arith.cmpi ne, %convert_element_type3A_535, %cond3A_536 : i32
          scf.if %cond3A_537 {
            %dma_start3A_538 = tpu.memref_slice %arg3[%add3A_529] : memref<16384xi32, #tpu.memory_space<hbm>> -> memref<16xi32, #tpu.memory_space<hbm>>
            %dma_start3A_539 = tpu.memref_slice %arg3[%add3A_529] : memref<16384xi32, #tpu.memory_space<hbm>> -> memref<16xi32, #tpu.memory_space<hbm>>
            tpu.enqueue_dma source(%dma_start3A_539 : memref<16xi32, #tpu.memory_space<hbm>>) target(%arg11 : memref<16xi32, #tpu.memory_space<vmem>>) target_semaphore(%arg18 : memref<!tpu.dma_semaphore, #tpu.memory_space<semaphore_mem>>)
          } else {
          }
        } else {
        }
        %lt3A_453 = arith.cmpi slt, %add3A_426, %select_n3A_142 : i32
        %jit3A_454 = arith.constant 16 : i32
        %div3A_455 = arith.divsi %add3A_120, %jit3A_454 : i32
        %sign3A_456 = arith.constant 0 : i32
        %sign3A_457 = arith.cmpi sgt, %add3A_120, %sign3A_456 : i32
        %sign3A_458 = arith.extui %sign3A_457 : i1 to i32
        %sign3A_459 = arith.constant 0 : i32
        %sign3A_460 = arith.cmpi slt, %add3A_120, %sign3A_459 : i32
        %sign3A_461 = arith.extui %sign3A_460 : i1 to i32
        %sign3A_462 = arith.subi %sign3A_458, %sign3A_461 : i32
        %sign3A_463 = arith.constant 0 : i32
        %sign3A_464 = arith.cmpi sgt, %jit3A_454, %sign3A_463 : i32
        %sign3A_465 = arith.extui %sign3A_464 : i1 to i32
        %sign3A_466 = arith.constant 0 : i32
        %sign3A_467 = arith.cmpi slt, %jit3A_454, %sign3A_466 : i32
        %sign3A_468 = arith.extui %sign3A_467 : i1 to i32
        %sign3A_469 = arith.subi %sign3A_465, %sign3A_468 : i32
        %ne3A_470 = arith.cmpi ne, %sign3A_462, %sign3A_469 : i32
        %rem3A_471 = arith.remsi %add3A_120, %jit3A_454 : i32
        %ne3A_472 = arith.constant 0 : i32
        %ne3A_473 = arith.cmpi ne, %rem3A_471, %ne3A_472 : i32
        %and3A_474 = arith.andi %ne3A_470, %ne3A_473 : i1
        %sub3A_475 = arith.constant 1 : i32
        %sub3A_476 = arith.subi %div3A_455, %sub3A_475 : i32
        %select_n3A_477 = arith.select %and3A_474, %sub3A_476, %div3A_455 : i32
        %sub3A_478 = arith.subi %add3A_426, %select_n3A_142 : i32
        %add3A_479 = arith.addi %select_n3A_477, %sub3A_478 : i32
        %select_n3A_480 = arith.select %lt3A_453, %add3A_426, %add3A_479 : i32
        %mul3A_481 = arith.constant 16 : i32
        %mul3A_482 = arith.muli %select_n3A_480, %mul3A_481 : i32
        %add3A_483 = arith.addi %mul3A_171, %mul3A_482 : i32
        %convert_element_type3A_484 = arith.extui %lt3A_453 : i1 to i32
        %cond3A_485 = arith.constant 0 : i32
        %cond3A_486 = arith.cmpi ne, %convert_element_type3A_484, %cond3A_485 : i32
        scf.if %cond3A_486 {
          %dma_start3A_497 = arith.constant 0 : i32
          %dma_start3A_498 = arith.constant 0 : i32
          %dma_start3A_499 = tpu.memref_slice %arg5[%dma_start3A_497, %dma_start3A_498] : memref<16384x2048xf32, #tpu.memory_space<hbm>> -> memref<16384x2048xf32, #tpu.memory_space<hbm>>
          tpu.enqueue_indirect_dma source(%dma_start3A_499 : memref<16384x2048xf32, #tpu.memory_space<hbm>>) target(%arg13 : memref<16x2048xf32, #tpu.memory_space<vmem>>) offsets(%arg10 : memref<16xi32, #tpu.memory_space<vmem>>) semaphore(%arg20 : memref<!tpu.dma_semaphore, #tpu.memory_space<semaphore_mem>>)
        } else {
        }
        %not3A_487 = arith.constant true
        %not3A_488 = arith.xori %lt3A_453, %not3A_487 : i1
        %convert_element_type3A_489 = arith.extui %not3A_488 : i1 to i32
        %cond3A_490 = arith.constant 0 : i32
        %cond3A_491 = arith.cmpi ne, %convert_element_type3A_489, %cond3A_490 : i32
        scf.if %cond3A_491 {
          %dma_start3A_497 = arith.constant 0 : i32
          %dma_start3A_498 = arith.constant 0 : i32
          %dma_start3A_499 = tpu.memref_slice %arg6[%dma_start3A_497, %dma_start3A_498] : memref<16384x2048xf32, #tpu.memory_space<hbm>> -> memref<16384x2048xf32, #tpu.memory_space<hbm>>
          tpu.enqueue_indirect_dma source(%dma_start3A_499 : memref<16384x2048xf32, #tpu.memory_space<hbm>>) target(%arg13 : memref<16x2048xf32, #tpu.memory_space<vmem>>) offsets(%arg10 : memref<16xi32, #tpu.memory_space<vmem>>) semaphore(%arg20 : memref<!tpu.dma_semaphore, #tpu.memory_space<semaphore_mem>>)
        } else {
        }
        %ge3A_492 = arith.constant 1 : i32
        %ge3A_493 = arith.cmpi sge, %add3A_426, %ge3A_492 : i32
        %convert_element_type3A_494 = arith.extui %ge3A_493 : i1 to i32
        %cond3A_495 = arith.constant 0 : i32
        %cond3A_496 = arith.cmpi ne, %convert_element_type3A_494, %cond3A_495 : i32
        scf.if %cond3A_496 {
          %dma_wait3A_497 = arith.constant 0 : i32
          %dma_wait3A_498 = arith.constant 0 : i32
          %dma_wait3A_499 = tpu.memref_slice %arg5[%dma_wait3A_497, %dma_wait3A_498] : memref<16384x2048xf32, #tpu.memory_space<hbm>> -> memref<16384x2048xf32, #tpu.memory_space<hbm>>
          tpu.wait_indirect_dma semaphore(%arg19 : memref<!tpu.dma_semaphore, #tpu.memory_space<semaphore_mem>>) src(%dma_wait3A_499 : memref<16384x2048xf32, #tpu.memory_space<hbm>>) dst(%arg12 : memref<16x2048xf32, #tpu.memory_space<vmem>>)
          %dma_start3A_500 = arith.constant 0 : i32
          %dma_start3A_501 = arith.constant 0 : i32
          %dma_start3A_502 = tpu.memref_slice %arg7[%dma_start3A_500, %dma_start3A_501] : memref<16384x2048xf32, #tpu.memory_space<hbm>> -> memref<16384x2048xf32, #tpu.memory_space<hbm>>
          tpu.enqueue_indirect_dma source(%arg12 : memref<16x2048xf32, #tpu.memory_space<vmem>>) target(%dma_start3A_502 : memref<16384x2048xf32, #tpu.memory_space<hbm>>) offsets(%arg9 : memref<16xi32, #tpu.memory_space<vmem>>) semaphore(%arg22 : memref<!tpu.dma_semaphore, #tpu.memory_space<semaphore_mem>>)
        } else {
        }
      } else {
      }
      %mul3A_431 = arith.constant 3 : i32
      %mul3A_432 = arith.muli %scan3A_414, %mul3A_431 : i32
      %add3A_433 = arith.constant 2 : i32
      %add3A_434 = arith.addi %mul3A_432, %add3A_433 : i32
      %lt3A_435 = arith.cmpi slt, %add3A_434, %add3A_169 : i32
      %convert_element_type3A_436 = arith.extui %lt3A_435 : i1 to i32
      %cond3A_437 = arith.constant 0 : i32
      %cond3A_438 = arith.cmpi ne, %convert_element_type3A_436, %cond3A_437 : i32
      scf.if %cond3A_438 {
        %dma_wait3A_439 = arith.constant 0 : i32
        %dma_wait3A_440 = tpu.memref_slice %arg2[%dma_wait3A_439] : memref<16384xi32, #tpu.memory_space<hbm>> -> memref<16xi32, #tpu.memory_space<hbm>>
        %dma_wait3A_441 = arith.constant 0 : i32
        %dma_wait3A_442 = tpu.memref_slice %arg2[%dma_wait3A_441] : memref<16384xi32, #tpu.memory_space<hbm>> -> memref<16xi32, #tpu.memory_space<hbm>>
        tpu.wait_dma2 semaphore(%arg18 : memref<!tpu.dma_semaphore, #tpu.memory_space<semaphore_mem>>) src(%dma_wait3A_442 : memref<16xi32, #tpu.memory_space<hbm>>) dst(%arg11 : memref<16xi32, #tpu.memory_space<vmem>>)
        %ge3A = arith.constant 2 : i32
        %ge3A_443 = arith.cmpi sge, %add3A_434, %ge3A : i32
        %convert_element_type3A_444 = arith.extui %ge3A_443 : i1 to i32
        %cond3A_445 = arith.constant 0 : i32
        %cond3A_446 = arith.cmpi ne, %convert_element_type3A_444, %cond3A_445 : i32
        scf.if %cond3A_446 {
          %dma_wait3A_497 = arith.constant 0 : i32
          %dma_wait3A_498 = arith.constant 0 : i32
          %dma_wait3A_499 = tpu.memref_slice %arg7[%dma_wait3A_497, %dma_wait3A_498] : memref<16384x2048xf32, #tpu.memory_space<hbm>> -> memref<16384x2048xf32, #tpu.memory_space<hbm>>
          tpu.wait_indirect_dma semaphore(%arg22 : memref<!tpu.dma_semaphore, #tpu.memory_space<semaphore_mem>>) src(%arg12 : memref<16x2048xf32, #tpu.memory_space<vmem>>) dst(%dma_wait3A_499 : memref<16384x2048xf32, #tpu.memory_space<hbm>>)
        } else {
        }
        %add3A_447 = arith.constant 1 : i32
        %add3A_448 = arith.addi %add3A_434, %add3A_447 : i32
        %lt3A_449 = arith.cmpi slt, %add3A_448, %add3A_169 : i32
        %convert_element_type3A_450 = arith.extui %lt3A_449 : i1 to i32
        %cond3A_451 = arith.constant 0 : i32
        %cond3A_452 = arith.cmpi ne, %convert_element_type3A_450, %cond3A_451 : i32
        scf.if %cond3A_452 {
          %add3A_497 = arith.constant 1 : i32
          %add3A_498 = arith.addi %add3A_434, %add3A_497 : i32
          %lt3A_499 = arith.cmpi slt, %add3A_498, %select_n3A_142 : i32
          %jit3A_500 = arith.constant 16 : i32
          %div3A_501 = arith.divsi %add3A_120, %jit3A_500 : i32
          %sign3A_502 = arith.constant 0 : i32
          %sign3A_503 = arith.cmpi sgt, %add3A_120, %sign3A_502 : i32
          %sign3A_504 = arith.extui %sign3A_503 : i1 to i32
          %sign3A_505 = arith.constant 0 : i32
          %sign3A_506 = arith.cmpi slt, %add3A_120, %sign3A_505 : i32
          %sign3A_507 = arith.extui %sign3A_506 : i1 to i32
          %sign3A_508 = arith.subi %sign3A_504, %sign3A_507 : i32
          %sign3A_509 = arith.constant 0 : i32
          %sign3A_510 = arith.cmpi sgt, %jit3A_500, %sign3A_509 : i32
          %sign3A_511 = arith.extui %sign3A_510 : i1 to i32
          %sign3A_512 = arith.constant 0 : i32
          %sign3A_513 = arith.cmpi slt, %jit3A_500, %sign3A_512 : i32
          %sign3A_514 = arith.extui %sign3A_513 : i1 to i32
          %sign3A_515 = arith.subi %sign3A_511, %sign3A_514 : i32
          %ne3A_516 = arith.cmpi ne, %sign3A_508, %sign3A_515 : i32
          %rem3A_517 = arith.remsi %add3A_120, %jit3A_500 : i32
          %ne3A_518 = arith.constant 0 : i32
          %ne3A_519 = arith.cmpi ne, %rem3A_517, %ne3A_518 : i32
          %and3A_520 = arith.andi %ne3A_516, %ne3A_519 : i1
          %sub3A_521 = arith.constant 1 : i32
          %sub3A_522 = arith.subi %div3A_501, %sub3A_521 : i32
          %select_n3A_523 = arith.select %and3A_520, %sub3A_522, %div3A_501 : i32
          %sub3A_524 = arith.subi %add3A_498, %select_n3A_142 : i32
          %add3A_525 = arith.addi %select_n3A_523, %sub3A_524 : i32
          %select_n3A_526 = arith.select %lt3A_499, %add3A_498, %add3A_525 : i32
          %mul3A_527 = arith.constant 16 : i32
          %mul3A_528 = arith.muli %select_n3A_526, %mul3A_527 : i32
          %add3A_529 = arith.addi %mul3A_171, %mul3A_528 : i32
          %convert_element_type3A_530 = arith.extui %lt3A_499 : i1 to i32
          %cond3A_531 = arith.constant 0 : i32
          %cond3A_532 = arith.cmpi ne, %convert_element_type3A_530, %cond3A_531 : i32
          scf.if %cond3A_532 {
            %dma_start3A_538 = tpu.memref_slice %arg2[%add3A_529] : memref<16384xi32, #tpu.memory_space<hbm>> -> memref<16xi32, #tpu.memory_space<hbm>>
            %dma_start3A_539 = tpu.memref_slice %arg2[%add3A_529] : memref<16384xi32, #tpu.memory_space<hbm>> -> memref<16xi32, #tpu.memory_space<hbm>>
            tpu.enqueue_dma source(%dma_start3A_539 : memref<16xi32, #tpu.memory_space<hbm>>) target(%arg9 : memref<16xi32, #tpu.memory_space<vmem>>) target_semaphore(%arg16 : memref<!tpu.dma_semaphore, #tpu.memory_space<semaphore_mem>>)
          } else {
          }
          %not3A_533 = arith.constant true
          %not3A_534 = arith.xori %lt3A_499, %not3A_533 : i1
          %convert_element_type3A_535 = arith.extui %not3A_534 : i1 to i32
          %cond3A_536 = arith.constant 0 : i32
          %cond3A_537 = arith.cmpi ne, %convert_element_type3A_535, %cond3A_536 : i32
          scf.if %cond3A_537 {
            %dma_start3A_538 = tpu.memref_slice %arg3[%add3A_529] : memref<16384xi32, #tpu.memory_space<hbm>> -> memref<16xi32, #tpu.memory_space<hbm>>
            %dma_start3A_539 = tpu.memref_slice %arg3[%add3A_529] : memref<16384xi32, #tpu.memory_space<hbm>> -> memref<16xi32, #tpu.memory_space<hbm>>
            tpu.enqueue_dma source(%dma_start3A_539 : memref<16xi32, #tpu.memory_space<hbm>>) target(%arg9 : memref<16xi32, #tpu.memory_space<vmem>>) target_semaphore(%arg16 : memref<!tpu.dma_semaphore, #tpu.memory_space<semaphore_mem>>)
          } else {
          }
        } else {
        }
        %lt3A_453 = arith.cmpi slt, %add3A_434, %select_n3A_142 : i32
        %jit3A_454 = arith.constant 16 : i32
        %div3A_455 = arith.divsi %add3A_120, %jit3A_454 : i32
        %sign3A_456 = arith.constant 0 : i32
        %sign3A_457 = arith.cmpi sgt, %add3A_120, %sign3A_456 : i32
        %sign3A_458 = arith.extui %sign3A_457 : i1 to i32
        %sign3A_459 = arith.constant 0 : i32
        %sign3A_460 = arith.cmpi slt, %add3A_120, %sign3A_459 : i32
        %sign3A_461 = arith.extui %sign3A_460 : i1 to i32
        %sign3A_462 = arith.subi %sign3A_458, %sign3A_461 : i32
        %sign3A_463 = arith.constant 0 : i32
        %sign3A_464 = arith.cmpi sgt, %jit3A_454, %sign3A_463 : i32
        %sign3A_465 = arith.extui %sign3A_464 : i1 to i32
        %sign3A_466 = arith.constant 0 : i32
        %sign3A_467 = arith.cmpi slt, %jit3A_454, %sign3A_466 : i32
        %sign3A_468 = arith.extui %sign3A_467 : i1 to i32
        %sign3A_469 = arith.subi %sign3A_465, %sign3A_468 : i32
        %ne3A_470 = arith.cmpi ne, %sign3A_462, %sign3A_469 : i32
        %rem3A_471 = arith.remsi %add3A_120, %jit3A_454 : i32
        %ne3A_472 = arith.constant 0 : i32
        %ne3A_473 = arith.cmpi ne, %rem3A_471, %ne3A_472 : i32
        %and3A_474 = arith.andi %ne3A_470, %ne3A_473 : i1
        %sub3A_475 = arith.constant 1 : i32
        %sub3A_476 = arith.subi %div3A_455, %sub3A_475 : i32
        %select_n3A_477 = arith.select %and3A_474, %sub3A_476, %div3A_455 : i32
        %sub3A_478 = arith.subi %add3A_434, %select_n3A_142 : i32
        %add3A_479 = arith.addi %select_n3A_477, %sub3A_478 : i32
        %select_n3A_480 = arith.select %lt3A_453, %add3A_434, %add3A_479 : i32
        %mul3A_481 = arith.constant 16 : i32
        %mul3A_482 = arith.muli %select_n3A_480, %mul3A_481 : i32
        %add3A_483 = arith.addi %mul3A_171, %mul3A_482 : i32
        %convert_element_type3A_484 = arith.extui %lt3A_453 : i1 to i32
        %cond3A_485 = arith.constant 0 : i32
        %cond3A_486 = arith.cmpi ne, %convert_element_type3A_484, %cond3A_485 : i32
        scf.if %cond3A_486 {
          %dma_start3A_497 = arith.constant 0 : i32
          %dma_start3A_498 = arith.constant 0 : i32
          %dma_start3A_499 = tpu.memref_slice %arg5[%dma_start3A_497, %dma_start3A_498] : memref<16384x2048xf32, #tpu.memory_space<hbm>> -> memref<16384x2048xf32, #tpu.memory_space<hbm>>
          tpu.enqueue_indirect_dma source(%dma_start3A_499 : memref<16384x2048xf32, #tpu.memory_space<hbm>>) target(%arg14 : memref<16x2048xf32, #tpu.memory_space<vmem>>) offsets(%arg11 : memref<16xi32, #tpu.memory_space<vmem>>) semaphore(%arg21 : memref<!tpu.dma_semaphore, #tpu.memory_space<semaphore_mem>>)
        } else {
        }
        %not3A_487 = arith.constant true
        %not3A_488 = arith.xori %lt3A_453, %not3A_487 : i1
        %convert_element_type3A_489 = arith.extui %not3A_488 : i1 to i32
        %cond3A_490 = arith.constant 0 : i32
        %cond3A_491 = arith.cmpi ne, %convert_element_type3A_489, %cond3A_490 : i32
        scf.if %cond3A_491 {
          %dma_start3A_497 = arith.constant 0 : i32
          %dma_start3A_498 = arith.constant 0 : i32
          %dma_start3A_499 = tpu.memref_slice %arg6[%dma_start3A_497, %dma_start3A_498] : memref<16384x2048xf32, #tpu.memory_space<hbm>> -> memref<16384x2048xf32, #tpu.memory_space<hbm>>
          tpu.enqueue_indirect_dma source(%dma_start3A_499 : memref<16384x2048xf32, #tpu.memory_space<hbm>>) target(%arg14 : memref<16x2048xf32, #tpu.memory_space<vmem>>) offsets(%arg11 : memref<16xi32, #tpu.memory_space<vmem>>) semaphore(%arg21 : memref<!tpu.dma_semaphore, #tpu.memory_space<semaphore_mem>>)
        } else {
        }
        %ge3A_492 = arith.constant 1 : i32
        %ge3A_493 = arith.cmpi sge, %add3A_434, %ge3A_492 : i32
        %convert_element_type3A_494 = arith.extui %ge3A_493 : i1 to i32
        %cond3A_495 = arith.constant 0 : i32
        %cond3A_496 = arith.cmpi ne, %convert_element_type3A_494, %cond3A_495 : i32
        scf.if %cond3A_496 {
          %dma_wait3A_497 = arith.constant 0 : i32
          %dma_wait3A_498 = arith.constant 0 : i32
          %dma_wait3A_499 = tpu.memref_slice %arg5[%dma_wait3A_497, %dma_wait3A_498] : memref<16384x2048xf32, #tpu.memory_space<hbm>> -> memref<16384x2048xf32, #tpu.memory_space<hbm>>
          tpu.wait_indirect_dma semaphore(%arg20 : memref<!tpu.dma_semaphore, #tpu.memory_space<semaphore_mem>>) src(%dma_wait3A_499 : memref<16384x2048xf32, #tpu.memory_space<hbm>>) dst(%arg13 : memref<16x2048xf32, #tpu.memory_space<vmem>>)
          %dma_start3A_500 = arith.constant 0 : i32
          %dma_start3A_501 = arith.constant 0 : i32
          %dma_start3A_502 = tpu.memref_slice %arg7[%dma_start3A_500, %dma_start3A_501] : memref<16384x2048xf32, #tpu.memory_space<hbm>> -> memref<16384x2048xf32, #tpu.memory_space<hbm>>
          tpu.enqueue_indirect_dma source(%arg13 : memref<16x2048xf32, #tpu.memory_space<vmem>>) target(%dma_start3A_502 : memref<16384x2048xf32, #tpu.memory_space<hbm>>) offsets(%arg10 : memref<16xi32, #tpu.memory_space<vmem>>) semaphore(%arg23 : memref<!tpu.dma_semaphore, #tpu.memory_space<semaphore_mem>>)
        } else {
        }
      } else {
      }
    }
    %scan3A_214 = arith.constant 11 : i32
    %sub3A_215 = arith.constant 1 : i32
    %sub3A_216 = arith.subi %add3A_169, %sub3A_215 : i32
    %jit3A_217 = arith.constant 3 : i32
    %eq3A_218 = arith.constant 0 : i32
    %eq3A_219 = arith.cmpi eq, %jit3A_217, %eq3A_218 : i32
    %jit3A_220 = arith.constant 1 : i32
    %select_n3A_221 = arith.select %eq3A_219, %jit3A_220, %jit3A_217 : i32
    %rem3A_222 = arith.remsi %sub3A_216, %select_n3A_221 : i32
    %ne3A_223 = arith.constant 0 : i32
    %ne3A_224 = arith.cmpi ne, %rem3A_222, %ne3A_223 : i32
    %lt3A = arith.constant 0 : i32
    %lt3A_225 = arith.cmpi slt, %rem3A_222, %lt3A : i32
    %lt3A_226 = arith.constant 0 : i32
    %lt3A_227 = arith.cmpi slt, %select_n3A_221, %lt3A_226 : i32
    %ne3A_228 = arith.xori %lt3A_225, %lt3A_227 : i1
    %and3A_229 = arith.andi %ne3A_228, %ne3A_224 : i1
    %add3A_230 = arith.addi %rem3A_222, %select_n3A_221 : i32
    %select_n3A_231 = arith.select %and3A_229, %add3A_230, %rem3A_222 : i32
    %eq3A_232 = arith.constant 0 : i32
    %eq3A_233 = arith.cmpi eq, %select_n3A_231, %eq3A_232 : i32
    %convert_element_type3A_234 = arith.extui %eq3A_233 : i1 to i32
    %cond3A_235 = arith.constant 0 : i32
    %cond3A_236 = arith.cmpi ne, %convert_element_type3A_234, %cond3A_235 : i32
    scf.if %cond3A_236 {
      %dma_wait3A_414 = arith.constant 0 : i32
      %dma_wait3A_415 = arith.constant 0 : i32
      %dma_wait3A_416 = tpu.memref_slice %arg5[%dma_wait3A_414, %dma_wait3A_415] : memref<16384x2048xf32, #tpu.memory_space<hbm>> -> memref<16384x2048xf32, #tpu.memory_space<hbm>>
      tpu.wait_indirect_dma semaphore(%arg19 : memref<!tpu.dma_semaphore, #tpu.memory_space<semaphore_mem>>) src(%dma_wait3A_416 : memref<16384x2048xf32, #tpu.memory_space<hbm>>) dst(%arg12 : memref<16x2048xf32, #tpu.memory_space<vmem>>)
      %dma_start3A_417 = arith.constant 0 : i32
      %dma_start3A_418 = arith.constant 0 : i32
      %dma_start3A_419 = tpu.memref_slice %arg7[%dma_start3A_417, %dma_start3A_418] : memref<16384x2048xf32, #tpu.memory_space<hbm>> -> memref<16384x2048xf32, #tpu.memory_space<hbm>>
      tpu.enqueue_indirect_dma source(%arg12 : memref<16x2048xf32, #tpu.memory_space<vmem>>) target(%dma_start3A_419 : memref<16384x2048xf32, #tpu.memory_space<hbm>>) offsets(%arg9 : memref<16xi32, #tpu.memory_space<vmem>>) semaphore(%arg22 : memref<!tpu.dma_semaphore, #tpu.memory_space<semaphore_mem>>)
    } else {
    }
    %sub3A_237 = arith.constant 1 : i32
    %sub3A_238 = arith.subi %add3A_169, %sub3A_237 : i32
    %jit3A_239 = arith.constant 3 : i32
    %eq3A_240 = arith.constant 0 : i32
    %eq3A_241 = arith.cmpi eq, %jit3A_239, %eq3A_240 : i32
    %jit3A_242 = arith.constant 1 : i32
    %select_n3A_243 = arith.select %eq3A_241, %jit3A_242, %jit3A_239 : i32
    %rem3A_244 = arith.remsi %sub3A_238, %select_n3A_243 : i32
    %ne3A_245 = arith.constant 0 : i32
    %ne3A_246 = arith.cmpi ne, %rem3A_244, %ne3A_245 : i32
    %lt3A_247 = arith.constant 0 : i32
    %lt3A_248 = arith.cmpi slt, %rem3A_244, %lt3A_247 : i32
    %lt3A_249 = arith.constant 0 : i32
    %lt3A_250 = arith.cmpi slt, %select_n3A_243, %lt3A_249 : i32
    %ne3A_251 = arith.xori %lt3A_248, %lt3A_250 : i1
    %and3A_252 = arith.andi %ne3A_251, %ne3A_246 : i1
    %add3A_253 = arith.addi %rem3A_244, %select_n3A_243 : i32
    %select_n3A_254 = arith.select %and3A_252, %add3A_253, %rem3A_244 : i32
    %eq3A_255 = arith.constant 1 : i32
    %eq3A_256 = arith.cmpi eq, %select_n3A_254, %eq3A_255 : i32
    %convert_element_type3A_257 = arith.extui %eq3A_256 : i1 to i32
    %cond3A_258 = arith.constant 0 : i32
    %cond3A_259 = arith.cmpi ne, %convert_element_type3A_257, %cond3A_258 : i32
    scf.if %cond3A_259 {
      %dma_wait3A_414 = arith.constant 0 : i32
      %dma_wait3A_415 = arith.constant 0 : i32
      %dma_wait3A_416 = tpu.memref_slice %arg5[%dma_wait3A_414, %dma_wait3A_415] : memref<16384x2048xf32, #tpu.memory_space<hbm>> -> memref<16384x2048xf32, #tpu.memory_space<hbm>>
      tpu.wait_indirect_dma semaphore(%arg20 : memref<!tpu.dma_semaphore, #tpu.memory_space<semaphore_mem>>) src(%dma_wait3A_416 : memref<16384x2048xf32, #tpu.memory_space<hbm>>) dst(%arg13 : memref<16x2048xf32, #tpu.memory_space<vmem>>)
      %dma_start3A_417 = arith.constant 0 : i32
      %dma_start3A_418 = arith.constant 0 : i32
      %dma_start3A_419 = tpu.memref_slice %arg7[%dma_start3A_417, %dma_start3A_418] : memref<16384x2048xf32, #tpu.memory_space<hbm>> -> memref<16384x2048xf32, #tpu.memory_space<hbm>>
      tpu.enqueue_indirect_dma source(%arg13 : memref<16x2048xf32, #tpu.memory_space<vmem>>) target(%dma_start3A_419 : memref<16384x2048xf32, #tpu.memory_space<hbm>>) offsets(%arg10 : memref<16xi32, #tpu.memory_space<vmem>>) semaphore(%arg23 : memref<!tpu.dma_semaphore, #tpu.memory_space<semaphore_mem>>)
    } else {
    }
    %sub3A_260 = arith.constant 1 : i32
    %sub3A_261 = arith.subi %add3A_169, %sub3A_260 : i32
    %jit3A_262 = arith.constant 3 : i32
    %eq3A_263 = arith.constant 0 : i32
    %eq3A_264 = arith.cmpi eq, %jit3A_262, %eq3A_263 : i32
    %jit3A_265 = arith.constant 1 : i32
    %select_n3A_266 = arith.select %eq3A_264, %jit3A_265, %jit3A_262 : i32
    %rem3A_267 = arith.remsi %sub3A_261, %select_n3A_266 : i32
    %ne3A_268 = arith.constant 0 : i32
    %ne3A_269 = arith.cmpi ne, %rem3A_267, %ne3A_268 : i32
    %lt3A_270 = arith.constant 0 : i32
    %lt3A_271 = arith.cmpi slt, %rem3A_267, %lt3A_270 : i32
    %lt3A_272 = arith.constant 0 : i32
    %lt3A_273 = arith.cmpi slt, %select_n3A_266, %lt3A_272 : i32
    %ne3A_274 = arith.xori %lt3A_271, %lt3A_273 : i1
    %and3A_275 = arith.andi %ne3A_274, %ne3A_269 : i1
    %add3A_276 = arith.addi %rem3A_267, %select_n3A_266 : i32
    %select_n3A_277 = arith.select %and3A_275, %add3A_276, %rem3A_267 : i32
    %eq3A_278 = arith.constant 2 : i32
    %eq3A_279 = arith.cmpi eq, %select_n3A_277, %eq3A_278 : i32
    %convert_element_type3A_280 = arith.extui %eq3A_279 : i1 to i32
    %cond3A_281 = arith.constant 0 : i32
    %cond3A_282 = arith.cmpi ne, %convert_element_type3A_280, %cond3A_281 : i32
    scf.if %cond3A_282 {
      %dma_wait3A_414 = arith.constant 0 : i32
      %dma_wait3A_415 = arith.constant 0 : i32
      %dma_wait3A_416 = tpu.memref_slice %arg5[%dma_wait3A_414, %dma_wait3A_415] : memref<16384x2048xf32, #tpu.memory_space<hbm>> -> memref<16384x2048xf32, #tpu.memory_space<hbm>>
      tpu.wait_indirect_dma semaphore(%arg21 : memref<!tpu.dma_semaphore, #tpu.memory_space<semaphore_mem>>) src(%dma_wait3A_416 : memref<16384x2048xf32, #tpu.memory_space<hbm>>) dst(%arg14 : memref<16x2048xf32, #tpu.memory_space<vmem>>)
      %dma_start3A_417 = arith.constant 0 : i32
      %dma_start3A_418 = arith.constant 0 : i32
      %dma_start3A_419 = tpu.memref_slice %arg7[%dma_start3A_417, %dma_start3A_418] : memref<16384x2048xf32, #tpu.memory_space<hbm>> -> memref<16384x2048xf32, #tpu.memory_space<hbm>>
      tpu.enqueue_indirect_dma source(%arg14 : memref<16x2048xf32, #tpu.memory_space<vmem>>) target(%dma_start3A_419 : memref<16384x2048xf32, #tpu.memory_space<hbm>>) offsets(%arg11 : memref<16xi32, #tpu.memory_space<vmem>>) semaphore(%arg24 : memref<!tpu.dma_semaphore, #tpu.memory_space<semaphore_mem>>)
    } else {
    }
    %sub3A_283 = arith.constant 1 : i32
    %sub3A_284 = arith.subi %add3A_169, %sub3A_283 : i32
    %jit3A_285 = arith.constant 3 : i32
    %eq3A_286 = arith.constant 0 : i32
    %eq3A_287 = arith.cmpi eq, %jit3A_285, %eq3A_286 : i32
    %jit3A_288 = arith.constant 1 : i32
    %select_n3A_289 = arith.select %eq3A_287, %jit3A_288, %jit3A_285 : i32
    %rem3A_290 = arith.remsi %sub3A_284, %select_n3A_289 : i32
    %ne3A_291 = arith.constant 0 : i32
    %ne3A_292 = arith.cmpi ne, %rem3A_290, %ne3A_291 : i32
    %lt3A_293 = arith.constant 0 : i32
    %lt3A_294 = arith.cmpi slt, %rem3A_290, %lt3A_293 : i32
    %lt3A_295 = arith.constant 0 : i32
    %lt3A_296 = arith.cmpi slt, %select_n3A_289, %lt3A_295 : i32
    %ne3A_297 = arith.xori %lt3A_294, %lt3A_296 : i1
    %and3A_298 = arith.andi %ne3A_297, %ne3A_292 : i1
    %add3A_299 = arith.addi %rem3A_290, %select_n3A_289 : i32
    %select_n3A_300 = arith.select %and3A_298, %add3A_299, %rem3A_290 : i32
    %eq3A_301 = arith.constant 0 : i32
    %eq3A_302 = arith.cmpi eq, %select_n3A_300, %eq3A_301 : i32
    %sub3A_303 = arith.constant 2 : i32
    %sub3A_304 = arith.subi %add3A_169, %sub3A_303 : i32
    %jit3A_305 = arith.constant 3 : i32
    %eq3A_306 = arith.constant 0 : i32
    %eq3A_307 = arith.cmpi eq, %jit3A_305, %eq3A_306 : i32
    %jit3A_308 = arith.constant 1 : i32
    %select_n3A_309 = arith.select %eq3A_307, %jit3A_308, %jit3A_305 : i32
    %rem3A_310 = arith.remsi %sub3A_304, %select_n3A_309 : i32
    %ne3A_311 = arith.constant 0 : i32
    %ne3A_312 = arith.cmpi ne, %rem3A_310, %ne3A_311 : i32
    %lt3A_313 = arith.constant 0 : i32
    %lt3A_314 = arith.cmpi slt, %rem3A_310, %lt3A_313 : i32
    %lt3A_315 = arith.constant 0 : i32
    %lt3A_316 = arith.cmpi slt, %select_n3A_309, %lt3A_315 : i32
    %ne3A_317 = arith.xori %lt3A_314, %lt3A_316 : i1
    %and3A_318 = arith.andi %ne3A_317, %ne3A_312 : i1
    %add3A_319 = arith.addi %rem3A_310, %select_n3A_309 : i32
    %select_n3A_320 = arith.select %and3A_318, %add3A_319, %rem3A_310 : i32
    %eq3A_321 = arith.constant 0 : i32
    %eq3A_322 = arith.cmpi eq, %select_n3A_320, %eq3A_321 : i32
    %or3A = arith.ori %eq3A_302, %eq3A_322 : i1
    %convert_element_type3A_323 = arith.extui %or3A : i1 to i32
    %cond3A_324 = arith.constant 0 : i32
    %cond3A_325 = arith.cmpi ne, %convert_element_type3A_323, %cond3A_324 : i32
    scf.if %cond3A_325 {
      %dma_wait3A_414 = arith.constant 0 : i32
      %dma_wait3A_415 = arith.constant 0 : i32
      %dma_wait3A_416 = tpu.memref_slice %arg7[%dma_wait3A_414, %dma_wait3A_415] : memref<16384x2048xf32, #tpu.memory_space<hbm>> -> memref<16384x2048xf32, #tpu.memory_space<hbm>>
      tpu.wait_indirect_dma semaphore(%arg22 : memref<!tpu.dma_semaphore, #tpu.memory_space<semaphore_mem>>) src(%arg12 : memref<16x2048xf32, #tpu.memory_space<vmem>>) dst(%dma_wait3A_416 : memref<16384x2048xf32, #tpu.memory_space<hbm>>)
    } else {
    }
    %sub3A_326 = arith.constant 1 : i32
    %sub3A_327 = arith.subi %add3A_169, %sub3A_326 : i32
    %jit3A_328 = arith.constant 3 : i32
    %eq3A_329 = arith.constant 0 : i32
    %eq3A_330 = arith.cmpi eq, %jit3A_328, %eq3A_329 : i32
    %jit3A_331 = arith.constant 1 : i32
    %select_n3A_332 = arith.select %eq3A_330, %jit3A_331, %jit3A_328 : i32
    %rem3A_333 = arith.remsi %sub3A_327, %select_n3A_332 : i32
    %ne3A_334 = arith.constant 0 : i32
    %ne3A_335 = arith.cmpi ne, %rem3A_333, %ne3A_334 : i32
    %lt3A_336 = arith.constant 0 : i32
    %lt3A_337 = arith.cmpi slt, %rem3A_333, %lt3A_336 : i32
    %lt3A_338 = arith.constant 0 : i32
    %lt3A_339 = arith.cmpi slt, %select_n3A_332, %lt3A_338 : i32
    %ne3A_340 = arith.xori %lt3A_337, %lt3A_339 : i1
    %and3A_341 = arith.andi %ne3A_340, %ne3A_335 : i1
    %add3A_342 = arith.addi %rem3A_333, %select_n3A_332 : i32
    %select_n3A_343 = arith.select %and3A_341, %add3A_342, %rem3A_333 : i32
    %eq3A_344 = arith.constant 1 : i32
    %eq3A_345 = arith.cmpi eq, %select_n3A_343, %eq3A_344 : i32
    %sub3A_346 = arith.constant 2 : i32
    %sub3A_347 = arith.subi %add3A_169, %sub3A_346 : i32
    %jit3A_348 = arith.constant 3 : i32
    %eq3A_349 = arith.constant 0 : i32
    %eq3A_350 = arith.cmpi eq, %jit3A_348, %eq3A_349 : i32
    %jit3A_351 = arith.constant 1 : i32
    %select_n3A_352 = arith.select %eq3A_350, %jit3A_351, %jit3A_348 : i32
    %rem3A_353 = arith.remsi %sub3A_347, %select_n3A_352 : i32
    %ne3A_354 = arith.constant 0 : i32
    %ne3A_355 = arith.cmpi ne, %rem3A_353, %ne3A_354 : i32
    %lt3A_356 = arith.constant 0 : i32
    %lt3A_357 = arith.cmpi slt, %rem3A_353, %lt3A_356 : i32
    %lt3A_358 = arith.constant 0 : i32
    %lt3A_359 = arith.cmpi slt, %select_n3A_352, %lt3A_358 : i32
    %ne3A_360 = arith.xori %lt3A_357, %lt3A_359 : i1
    %and3A_361 = arith.andi %ne3A_360, %ne3A_355 : i1
    %add3A_362 = arith.addi %rem3A_353, %select_n3A_352 : i32
    %select_n3A_363 = arith.select %and3A_361, %add3A_362, %rem3A_353 : i32
    %eq3A_364 = arith.constant 1 : i32
    %eq3A_365 = arith.cmpi eq, %select_n3A_363, %eq3A_364 : i32
    %or3A_366 = arith.ori %eq3A_345, %eq3A_365 : i1
    %convert_element_type3A_367 = arith.extui %or3A_366 : i1 to i32
    %cond3A_368 = arith.constant 0 : i32
    %cond3A_369 = arith.cmpi ne, %convert_element_type3A_367, %cond3A_368 : i32
    scf.if %cond3A_369 {
      %dma_wait3A_414 = arith.constant 0 : i32
      %dma_wait3A_415 = arith.constant 0 : i32
      %dma_wait3A_416 = tpu.memref_slice %arg7[%dma_wait3A_414, %dma_wait3A_415] : memref<16384x2048xf32, #tpu.memory_space<hbm>> -> memref<16384x2048xf32, #tpu.memory_space<hbm>>
      tpu.wait_indirect_dma semaphore(%arg23 : memref<!tpu.dma_semaphore, #tpu.memory_space<semaphore_mem>>) src(%arg13 : memref<16x2048xf32, #tpu.memory_space<vmem>>) dst(%dma_wait3A_416 : memref<16384x2048xf32, #tpu.memory_space<hbm>>)
    } else {
    }
    %sub3A_370 = arith.constant 1 : i32
    %sub3A_371 = arith.subi %add3A_169, %sub3A_370 : i32
    %jit3A_372 = arith.constant 3 : i32
    %eq3A_373 = arith.constant 0 : i32
    %eq3A_374 = arith.cmpi eq, %jit3A_372, %eq3A_373 : i32
    %jit3A_375 = arith.constant 1 : i32
    %select_n3A_376 = arith.select %eq3A_374, %jit3A_375, %jit3A_372 : i32
    %rem3A_377 = arith.remsi %sub3A_371, %select_n3A_376 : i32
    %ne3A_378 = arith.constant 0 : i32
    %ne3A_379 = arith.cmpi ne, %rem3A_377, %ne3A_378 : i32
    %lt3A_380 = arith.constant 0 : i32
    %lt3A_381 = arith.cmpi slt, %rem3A_377, %lt3A_380 : i32
    %lt3A_382 = arith.constant 0 : i32
    %lt3A_383 = arith.cmpi slt, %select_n3A_376, %lt3A_382 : i32
    %ne3A_384 = arith.xori %lt3A_381, %lt3A_383 : i1
    %and3A_385 = arith.andi %ne3A_384, %ne3A_379 : i1
    %add3A_386 = arith.addi %rem3A_377, %select_n3A_376 : i32
    %select_n3A_387 = arith.select %and3A_385, %add3A_386, %rem3A_377 : i32
    %eq3A_388 = arith.constant 2 : i32
    %eq3A_389 = arith.cmpi eq, %select_n3A_387, %eq3A_388 : i32
    %sub3A_390 = arith.constant 2 : i32
    %sub3A_391 = arith.subi %add3A_169, %sub3A_390 : i32
    %jit3A_392 = arith.constant 3 : i32
    %eq3A_393 = arith.constant 0 : i32
    %eq3A_394 = arith.cmpi eq, %jit3A_392, %eq3A_393 : i32
    %jit3A_395 = arith.constant 1 : i32
    %select_n3A_396 = arith.select %eq3A_394, %jit3A_395, %jit3A_392 : i32
    %rem3A_397 = arith.remsi %sub3A_391, %select_n3A_396 : i32
    %ne3A_398 = arith.constant 0 : i32
    %ne3A_399 = arith.cmpi ne, %rem3A_397, %ne3A_398 : i32
    %lt3A_400 = arith.constant 0 : i32
    %lt3A_401 = arith.cmpi slt, %rem3A_397, %lt3A_400 : i32
    %lt3A_402 = arith.constant 0 : i32
    %lt3A_403 = arith.cmpi slt, %select_n3A_396, %lt3A_402 : i32
    %ne3A_404 = arith.xori %lt3A_401, %lt3A_403 : i1
    %and3A_405 = arith.andi %ne3A_404, %ne3A_399 : i1
    %add3A_406 = arith.addi %rem3A_397, %select_n3A_396 : i32
    %select_n3A_407 = arith.select %and3A_405, %add3A_406, %rem3A_397 : i32
    %eq3A_408 = arith.constant 2 : i32
    %eq3A_409 = arith.cmpi eq, %select_n3A_407, %eq3A_408 : i32
    %or3A_410 = arith.ori %eq3A_389, %eq3A_409 : i1
    %convert_element_type3A_411 = arith.extui %or3A_410 : i1 to i32
    %cond3A_412 = arith.constant 0 : i32
    %cond3A_413 = arith.cmpi ne, %convert_element_type3A_411, %cond3A_412 : i32
    scf.if %cond3A_413 {
      %dma_wait3A_414 = arith.constant 0 : i32
      %dma_wait3A_415 = arith.constant 0 : i32
      %dma_wait3A_416 = tpu.memref_slice %arg7[%dma_wait3A_414, %dma_wait3A_415] : memref<16384x2048xf32, #tpu.memory_space<hbm>> -> memref<16384x2048xf32, #tpu.memory_space<hbm>>
      tpu.wait_indirect_dma semaphore(%arg24 : memref<!tpu.dma_semaphore, #tpu.memory_space<semaphore_mem>>) src(%arg14 : memref<16x2048xf32, #tpu.memory_space<vmem>>) dst(%dma_wait3A_416 : memref<16384x2048xf32, #tpu.memory_space<hbm>>)
    } else {
    }
    return
  }
}

</mosaic_0001>

<sc_bundles>
// kernel: _sc_select.3.cloned.1.call-start
scs
__scs_entry_jumppad:
0x0: {  	(pc) =	sbr.rel $0x88, $3  }
0x1: {  	(tag) =	ssettag $0x0;
	lr =	simm.s32 $0x1  }
0x2: {  	[smem:$0x3F9C] =	sst lr;
	_ =	strace $0xD0000000  }
0x3: {  	_ = 	snop  }
0x4: {  	_ = 	snop  }
0x5: {  	_ = 	snop  }
0x6: {  	_ = 	snop  }
0x7: {  	_ = 	snop  }
__scs_overlays_trampoline_lowered:
0x8: {  	[smem:$0x3FAB] =	sst s0  }
0x9: {  	[smem:$0x3FAC] =	sst s1  }
0xa: {  	[smem:$0x3FAD] =	sst s2  }
0xb: {  	[smem:$0x3FAE] =	sst s3  }
0xc: {  	[smem:$0x3FAF] =	sst s4  }
0xd: {  	[smem:$0x3FB0] =	sst s5  }
0xe: {  	[smem:$0x3FB1] =	sst s6  }
0xf: {  	[smem:$0x3FB2] =	sst s7  }
0x10: {  	[smem:$0x3FB3] =	sst s8  }
0x11: {  	[smem:$0x3FB4] =	sst s9;
	s0 =	simm.s32 @!p0 $0x0  }
0x12: {  	s1 =	sld [smem:$0x3F9A];
	s0 =	simm.s32 @p0 $0x1  }
0x13: {  	[smem:$0x3FB5] =	sst s0;
	s0 =	simm.s32 @!p1 $0x0  }
0x14: {  	s2 =	sld [smem:$0x3F99];
	s0 =	simm.s32 @p1 $0x1  }
0x15: {  	[smem:$0x3FB6] =	sst s0;
	s0 =	simm.s32 @!p2 $0x0  }
0x16: {  	s3 =	sld [smem:$0x3FDB];
	s0 =	simm.s32 @p2 $0x1  }
0x17: {  	s4 =	simm.s32 $0x1BF5;
	[smem:$0x3FB8] =	sst s0  }
0x18: {  	s0 =	sld [smem:$0x3F9B];
	_ =	swait.ge [sflag:s4], $0x0  }
0x19: {  	s7 =	sld [smem:$0x3F9C]  }
0x1a: {  	s8 =	sadd.s32 $0xFFFFE003, lr  }
0x1b: {  	s9 =	sadd.s32 $0xFFFFFEF7, lr;
	s5 =	simm.s32 $0xFFFFFFFF;
	p2 =	slt.u32 s8, $0xFFFFF086  }
0x1c: {  	p1 =	slt.u32 s9, $0xF7A;
	s5 =	simm.s32 @!p2 $0x0  }
0x1d: {  	s5 =	simm.s32 @p1 $0x1;
	p0 =	seq.s32 s7, s2  }
0x1e: {  	s7 =	smul.u32 @!p0 $0xF7A, s2;
	p2 =	seq.s32 @!p0 s5, $0x0  }
0x1f: {  	s9 =	smul.u32 $0xF7A, s1;
	s8 =	simm.s32 @!p0 $0x1BF5;
	p2 =	por !p2, p0  }
0x20: {  	[sflag:s8] =	ssyncset.s32 @!p0 $0xFFFFF086;
	s6 =	sadd.s32 @!p0 s3, s7;
	s7 =	simm.s32 @!p0 $0x108  }
0x21: {  	s3 =	sadd.s32 s3, s9;
	s6 =	sadd.s32 @!p0 $0x88, s6;
	s7 =	simm.s32 @p2 $0x1082  }
0x22: {  	[simem:s7], [sflag:s8] =	dma.local @!p0 [hbm:s6], $0xF7A  }
0x23: {  	s9 =	sor.u32 $0xD0000000, s2;
	s6 =	simm.s32 $0x108;
	_ =	swait.ge @!p0 [sflag:s8], $0x0  }
0x24: {  	s3 =	sadd.s32 $0x88, s3;
	s6 =	simm.s32 @!p1 $0x1082;
	[sflag:s4] =	ssyncset.s32 $0xFFFFF086  }
0x25: {  	[simem:s6], [sflag:s4] =	dma.local [hbm:s3], $0xF7A  }
0x26: {  	[smem:$0x3F9C] =	sst s1;
	(tag) =	ssettag s2;
	_ =	strace s9  }
0x27: {  	s1 =	sld [smem:$0x3FAC]  }
0x28: {  	s2 =	sld [smem:$0x3FAD]  }
0x29: {  	s4 =	sld [smem:$0x3FAF]  }
0x2a: {  	p0 =	seq.s32 s5, $0x0;
	s5 =	sld [smem:$0x3FB0]  }
0x2b: {  	s6 =	sld [smem:$0x3FB1]  }
0x2c: {  	s7 =	sld [smem:$0x3FB2]  }
0x2d: {  	s3 =	simm.s32 $0x108;
	s8 =	sld [smem:$0x3FB3]  }
0x2e: {  	s3 =	simm.s32 @!p0 $0x1082;
	s9 =	sld [smem:$0x3FB4]  }
0x2f: {  	lr =	sadd.s32 s0, s3;
	s0 =	sld [smem:$0x3FAB]  }
0x30: {  	s3 =	sld [smem:$0x3FAE]  }
0x31: {  	[smem:$0x3FB7] =	sst s10  }
0x32: {  	s10 =	sld [smem:$0x3FB5];
	_ =	sdelay $0x3  }
0x33: {  	p0 =	seq.s32 s10, $0x1;
	s10 =	sld [smem:$0x3FB7];
	_ =	sdelay $0x3  }
0x34: {  	[smem:$0x3FB7] =	sst s10  }
0x35: {  	s10 =	sld [smem:$0x3FB6];
	_ =	sdelay $0x3  }
0x36: {  	p1 =	seq.s32 s10, $0x1;
	s10 =	sld [smem:$0x3FB7];
	_ =	sdelay $0x3  }
0x37: {  	[smem:$0x3FB7] =	sst s10  }
0x38: {  	s10 =	sld [smem:$0x3FB8]  }
0x39: {  	_ = 	snop;
	(pc) =	sbr.ind lr, $3  }
0x3a: {  	_ = 	snop  }
0x3b: {  	_ = 	snop  }
0x3c: {  	p2 =	seq.s32 s10, $0x1;
	s10 =	sld [smem:$0x3FB7]  }
0x3d: {  	_ =	shalt  }
0x3e: {  	_ =	shalt  }
0x3f: {  	_ =	shalt  }
0x40: {  	_ =	shalt  }
0x41: {  	_ =	shalt  }
0x42: {  	_ =	shalt  }
0x43: {  	_ =	shalt  }
0x44: {  	_ =	shalt  }
0x45: {  	_ =	shalt  }
0x46: {  	_ =	shalt  }
0x47: {  	_ =	shalt  }
0x48: {  	_ =	shalt  }
0x49: {  	_ =	shalt  }
0x4a: {  	_ =	shalt  }
0x4b: {  	_ =	shalt  }
0x4c: {  	_ =	shalt  }
0x4d: {  	_ =	shalt  }
0x4e: {  	_ =	shalt  }
0x4f: {  	_ =	shalt  }
0x50: {  	_ =	shalt  }
0x51: {  	_ =	shalt  }
0x52: {  	_ =	shalt  }
0x53: {  	_ =	shalt  }
0x54: {  	_ =	shalt  }
0x55: {  	_ =	shalt  }
0x56: {  	_ =	shalt  }
0x57: {  	_ =	shalt  }
0x58: {  	_ =	shalt  }
0x59: {  	_ =	shalt  }
0x5a: {  	_ =	shalt  }
0x5b: {  	_ =	shalt  }
0x5c: {  	_ =	shalt  }
0x5d: {  	_ =	shalt  }
0x5e: {  	_ =	shalt  }
0x5f: {  	_ =	shalt  }
0x60: {  	_ =	shalt  }
0x61: {  	_ =	shalt  }
0x62: {  	_ =	shalt  }
0x63: {  	_ =	shalt  }
0x64: {  	_ =	shalt  }
0x65: {  	_ =	shalt  }
0x66: {  	_ =	shalt  }
0x67: {  	_ =	shalt  }
0x68: {  	_ =	shalt  }
0x69: {  	_ =	shalt  }
0x6a: {  	_ =	shalt  }
0x6b: {  	_ =	shalt  }
0x6c: {  	_ =	shalt  }
0x6d: {  	_ =	shalt  }
0x6e: {  	_ =	shalt  }
0x6f: {  	_ =	shalt  }
0x70: {  	_ =	shalt  }
0x71: {  	_ =	shalt  }
0x72: {  	_ =	shalt  }
0x73: {  	_ =	shalt  }
0x74: {  	_ =	shalt  }
0x75: {  	_ =	shalt  }
0x76: {  	_ =	shalt  }
0x77: {  	_ =	shalt  }
0x78: {  	_ =	shalt  }
0x79: {  	_ =	shalt  }
0x7a: {  	_ =	shalt  }
0x7b: {  	_ =	shalt  }
0x7c: {  	_ =	shalt  }
0x7d: {  	_ =	shalt  }
0x7e: {  	_ =	shalt  }
0x7f: {  	_ =	shalt  }
0x80: {  	_ =	shalt  }
0x81: {  	_ =	shalt  }
0x82: {  	_ =	shalt  }
0x83: {  	_ =	shalt  }
0x84: {  	_ =	shalt  }
0x85: {  	_ =	shalt  }
0x86: {  	_ =	shalt  }
0x87: {  	_ =	shalt  }
.Lfunc_end0:
.L_simem_size_0:
called_computation_lowered:
.L_overlay_start_0:
0x88: {  	s2 =	sld [smem:$0x3FD9]  }
0x89: {  	s3 =	sld [smem:$0x3FFE];
	_ =	sdelay $0x1  }
0x8a: {  	s1 =	srdreg.scid  }
0x8b: {  	s0 =	sand.u32 $0x1, s1  }
0x8c: {  	s18 =	sshll.u32 s0, $0xA;
	s2 =	sadd.s32 s3, s2  }
0x8d: {  	s2 =	sadd.s32 s2, s18  }
0x8e: {  	[smem:$0x3FC3] =	sst s2  }
0x8f: {  	_ = 	snop  }
0x90: {  	s2 =	sld [smem:$0x3FC9]  }
0x91: {  	s19 =	sld [smem:$0x3FC8]  }
0x92: {  	s4 =	sld [smem:$0x3FC7]  }
0x93: {  	s5 =	sld [smem:$0x3FC6]  }
0x94: {  	s6 =	sld [smem:$0x3FC5]  }
0x95: {  	s7 =	sld [smem:$0x3FD0];
	(tm) =	ssettm $0x1  }
0x96: {  	s8 =	sld [smem:$0x3FFB];
	_ =	sdelay $0x3  }
0x97: {  	_ =	strace s8  }
0x98: {  	s8 =	sld [smem:$0x3FFC];
	_ =	sdelay $0x3  }
0x99: {  	_ =	strace s8  }
0x9a: {  	s8 =	sld [smem:$0x3FFD];
	_ =	sdelay $0x3  }
0x9b: {  	_ =	strace s8  }
0x9c: {  	_ =	strace $0x8FFFFFFF  }
0x9d: {  	s20 =	sld [smem:$0x3FDB];
	_ =	sdelay $0x1  }
0x9e: {  	s9 =	simm.s32 $_scs_section_size  }
0x9f: {  	s10 =	simm.s32 $_size__tile_overlayer_lowered;
	s11 =	simm.s32 $_tile_overlayer_lowered  }
0xa0: {  	s23 =	simm.s32 $0x1BFF;
	s22 =	sshll.u32 s11, $0x1;
	s8 =	sadd.s32 s9, s20  }
0xa1: {  	s12 =	simm.s32 $0x0;
	s21 =	sshll.u32 s10, $0x1;
	s10 =	sadd.s32 s22, s8  }
0xa2: {  	[timem:s12], [sflag:s23] =	dma.local [hbm:s10], s21  }
0xa3: {  	_ =	swait.ge [sflag:s23], s21  }
0xa4: {  	s9 =	ssub.s32 $0x0, s21;
	[sflag:s23] =	ssyncset.done $0x0  }
0xa5: {  	[sflag:s23] =	ssyncadd.s32 s9;
	_ =	sdelay $0x1  }
0xa6: {  	s24 =	simm.s32 $0x1B8B  }
0xa7: {  	_ =	swait.ge [sflag:s24], $0x1  }
0xa8: {  	[sflag:s24] =	ssyncset.done $0x0  }
0xa9: {  	s25 =	simm.s32 $0x1B8E;
	[sflag:s24] =	ssyncadd.s32 $0xFFFFFFFF  }
0xaa: {  	s26 =	simm.s32 $execute0_lowered;
	[smem:$0x3FD2] =	sst s25  }
0xab: {  	s9 =	sshll.u32 s26, $0x1;
	_ =	strace $0x80000046;
	[dreg:$0x1] =	wrdreg $0xFFFFFFFF  }
0xac: {  	s28 =	simm.s32 $_size_execute0_lowered;
	s8 =	sadd.s32 s8, s9;
	[dreg:$0x0] =	wrdreg $0x0  }
0xad: {  	s9 =	sshll.u32 s28, $0x1;
	[dreg:$0x2] =	wrdreg s8  }
0xae: {  	[dreg:$0x3] =	wrdreg s9  }
0xaf: {  	[dreg:$0x4] =	wrdreg $0xC0  }
0xb0: {  	_ =	task [dreg:s12], $0x5FFFF  }
0xb1: {  	[dreg:$0x1] =	wrdreg $0xFFFFFFFF  }
0xb2: {  	[dreg:$0x0] =	wrdreg $0x60  }
0xb3: {  	[dreg:$0x2] =	wrdreg s4  }
0xb4: {  	[dreg:$0x3] =	wrdreg s5  }
0xb5: {  	[dreg:$0x4] =	wrdreg s6  }
0xb6: {  	[dreg:$0x5] =	wrdreg s2  }
0xb7: {  	[dreg:$0x6] =	wrdreg s19  }
0xb8: {  	[dreg:$0x7] =	wrdreg s7  }
0xb9: {  	[dreg:$0x8] =	wrdreg $0x9  }
0xba: {  	_ =	task.clear_ibuf [dreg:s12], $0x9FFFF;
	_ =	strace $0x90000046  }
0xbb: {  	s29 =	simm.s32 $0x9;
	_ =	strace $0x80000048  }
0xbc: {  	_ =	swait.ge [sflag:s29], $0x1  }
0xbd: {  	[sflag:s29] =	ssyncadd.s32 $0xFFFFFFFF  }
0xbe: {  	_ =	strace $0x90000048  }
0xbf: {  	_ =	sfence  }
0xc0: {  	s30 =	sld [smem:$0x0];
	_ =	sdelay $0x2  }
0xc1: {  	s31 =	sshll.u32 s1, $0xD;
	s1 =	sshrl.u32 s1, $0x2  }
0xc2: {  	s3 =	sand.u32 $0x4000, s31;
	s1 =	sadd.s32 s1, s30  }
0xc3: {  	s0 =	sor.u32 s3, s0;
	s1 =	sshll.u32 s1, $0x11  }
0xc4: {  	s0 =	sor.u32 s1, s0  }
0xc5: {  	s0 =	sadd.s32 $0x8F2B, s0  }
0xc6: {  	[sflag:s0] =	ssyncadd.remote.s32 $0x1  }
0xc7: {  	_ =	sfence.sel $0xFFFF  }
0xc8: {  	[dreg:$0x0] =	wrdreg $0xFFFFFFFF;
	(pc) =	sbr.abs _section_cstart, $3  }
0xc9: {  	[dreg:$0x1] =	wrdreg $0xFFFFFFFF  }
0xca: {  	_ =	task.clear_ibuf [dreg:s12], $0x2FFFF;
	_ =	strace $0x9FFFFFFF  }
0xcb: {  	(tm) =	ssettm $0x7FFFFFFF  }
tec
execute0_lowered:
.L_overlay_start_1:
0x0: {  	(tag) =	ssettag $0x1  }
0x1: {  	s0 =	rddreg [dreg:$0x2]  }
0x2: {  	s8 =	rddreg [dreg:$0x3]  }
0x3: {  	s11 =	rddreg [dreg:$0x4]  }
0x4: {  	s12 =	rddreg [dreg:$0x5]  }
0x5: {  	s1 =	srdreg.scid;
	s6 =	simm.s32 $0x0;
	s13 =	stileid.u32  }
0x6: {  	s1 =	sand.u32 $0x1, s1;
	[smem:$0x7FF] =	sst s6;
	s7 =	sshll.u32 s13, $0x9  }
0x7: {  	s22 =	sadd.s32 $0x100, s11;
	s23 =	sadd.s32 $0x200, s11;
	s5 =	sadd.s32 $0x300, s11  }
0x8: {  	s17 =	sadd.s32 $0x400, s11;
	s10 =	sadd.s32 $0x500, s11;
	s18 =	sadd.s32 $0x600, s11  }
0x9: {  	s11 =	sadd.s32 $0x700, s11;
	s24 =	sadd.s32 $0x100, s8;
	s4 =	sshll.u32 s1, $0x4  }
0xa: {  	s25 =	sadd.s32 $0x200, s8;
	p0 =	seq.s32 s13, $0xF;
	s0 =	sadd.s32 s0, s4  }
0xb: {  	_ =	strace $0x80000047;
	[dreg:$0x7] =	wrdreg s0;
	s0 =	simm.s32 @!p0 $0x0  }
0xc: {  	s19 =	sadd.s32 $0x300, s8;
	s0 =	simm.s32 @p0 $0x1;
	p0 =	seq.s32 s13, $0xE  }
0xd: {  	s20 =	sadd.s32 $0x400, s8;
	[smem:$0x7F1] =	sst s0;
	s0 =	simm.s32 @!p0 $0x0  }
0xe: {  	s21 =	sadd.s32 $0x500, s8;
	s0 =	simm.s32 @p0 $0x1;
	p0 =	seq.s32 s13, $0xD  }
0xf: {  	p6 =	seq.s32 s13, $0x2;
	[smem:$0x7F2] =	sst s0;
	s0 =	simm.s32 @!p0 $0x0  }
0x10: {  	p1 =	seq.s32 s13, $0x0;
	s0 =	simm.s32 @p0 $0x1;
	p0 =	seq.s32 s13, $0xC  }
0x11: {  	s28 =	sadd.s32 $0x300, s12;
	[smem:$0x7F3] =	sst s0;
	s0 =	simm.s32 @!p0 $0x0  }
0x12: {  	s29 =	sadd.s32 $0x400, s12;
	s0 =	simm.s32 @p0 $0x1;
	p0 =	seq.s32 s13, $0xB  }
0x13: {  	s30 =	sadd.s32 $0x500, s12;
	[smem:$0x7F4] =	sst s0;
	s0 =	simm.s32 @!p0 $0x0  }
0x14: {  	[dreg:$0x8] =	wrdreg s22;
	s0 =	simm.s32 @p0 $0x1;
	p0 =	seq.s32 s13, $0xA  }
0x15: {  	s31 =	sadd.s32 $0x600, s12;
	[smem:$0x7F5] =	sst s0;
	s0 =	simm.s32 @!p0 $0x0  }
0x16: {  	[dreg:$0x9] =	wrdreg s23;
	s0 =	simm.s32 @p0 $0x1;
	p0 =	seq.s32 s13, $0x9  }
0x17: {  	s2 =	ssub.s32 $0x2, s1;
	[smem:$0x7F6] =	sst s0;
	s0 =	simm.s32 @!p0 $0x0  }
0x18: {  	[dreg:$0xa] =	wrdreg s24;
	s0 =	simm.s32 @p0 $0x1;
	p0 =	seq.s32 s13, $0x8  }
0x19: {  	s1 =	sshll.u32 s1, $0xD;
	[smem:$0x7F7] =	sst s0;
	s0 =	simm.s32 @!p0 $0x0  }
0x1a: {  	[dreg:$0xb] =	wrdreg s25;
	s0 =	simm.s32 @p0 $0x1;
	p0 =	seq.s32 s13, $0x7  }
0x1b: {  	s22 =	sadd.s32 $0x600, s8;
	[smem:$0x7F8] =	sst s0;
	s0 =	simm.s32 @!p0 $0x0  }
0x1c: {  	s23 =	sadd.s32 $0x700, s8;
	s0 =	simm.s32 @p0 $0x1;
	p0 =	seq.s32 s13, $0x6  }
0x1d: {  	s24 =	sadd.s32 $0x100, s12;
	[smem:$0x7F9] =	sst s0;
	s0 =	simm.s32 @!p0 $0x0  }
0x1e: {  	s3 =	sshrl.u32 s2, $0x1;
	s0 =	simm.s32 @p0 $0x1;
	p0 =	seq.s32 s13, $0x5  }
0x1f: {  	s9 =	sor.u32 s7, s1;
	[smem:$0x7FA] =	sst s0;
	s0 =	simm.s32 @!p0 $0x0  }
0x20: {  	s1 =	sadd.s32 $0x700, s12;
	s0 =	simm.s32 @p0 $0x1;
	p0 =	seq.s32 s13, $0x4  }
.Ltmp0:
0x21: {  	[smem:$0x7FB] =	sst s0;
	s0 =	simm.s32 @!p0 $0x0;
	(pc) =	sbr.rel .LBB2_1-.Ltmp0, $4  }
0x22: {  	s2 =	ssub.s32 s2, s3;
	s0 =	simm.s32 @p0 $0x1;
	p0 =	seq.s32 s13, $0x3  }
0x23: {  	v2 =	vlaneseq.u32;
	s26 =	smax.u32 s2, $0x1;
	[smem:$0x7FC] =	sst s0;
	s0 =	simm.s32 @!p0 $0x0  }
0x24: {  	vm0 =	vmmov $0xffff;
	v1 =	vshrl.u32 v2, $0x3;
	s4 =	simm.s32 $0x0;
	[dreg:$0xc] =	wrdreg s26;
	s0 =	simm.s32 @p0 $0x1  }
0x25: {  	v0 =	vand.u32 $0x7, v2;
	v2 =	vor.u32 $0x8, v2;
	v1 =	vmul.u32 $0x8, v1;
	s26 =	sadd.s32 $0x200, s12;
	p0 =	seq.s32 s13, $0x1;
	[smem:$0x7FD] =	sst s0  }
.LBB2_12:
0x26: {  	s0 =	simm.s32 $0x6  }
0x27: {  	_ =	swait.ge [sflag:s0], $0x8000  }
0x28: {  	[sflag:s0] =	ssyncset.done $0x0  }
0x29: {  	[sflag:s0] =	ssyncadd.s32 $0xFFFF8000  }
0x2a: {  	v3 =	vld [tilespmem:$0x100];
	_ =	sdelay $0x4  }
0x2b: {  	v4 =	vshll.u32 v3, $0x4  }
0x2c: {  	v3 =	vand.u32 $0x7, v3;
	v4 =	vand.u32 $0xFFFFFF80, v4  }
0x2d: {  	v3 =	vor.u32 v3, v4  }
0x2e: {  	v4 =	vperm.xlane v3, v0;
	_ =	sdelay $0x1  }
0x2f: {  	v4 =	vadd.s32 v1, v4;
	_ =	sdelay $0x3  }
0x30: {  	s3 =	simm.s32 $0x8200;
	s0 =	rddreg [dreg:$0x5]  }
0x31: {  	[hbm4b:s0+s6] =	stream.indirect_vreg.scatter [tilespmem:s3], [sflag:$0x9], $0x80, v4, vm0, $0xb8;
	[tilespmem:$0x18200] =	vst v63  }
0x32: {  	s8 =	simm.s32 $0x8A00  }
0x33: {  	[hbm4b:s24+s6] =	stream.indirect_vreg.scatter [tilespmem:s8], [sflag:$0x9], $0x80, v4, vm0, $0xb8;
	[tilespmem:$0x18200] =	vst v63  }
0x34: {  	s12 =	simm.s32 $0x9200  }
0x35: {  	[hbm4b:s26+s6] =	stream.indirect_vreg.scatter [tilespmem:s12], [sflag:$0x9], $0x80, v4, vm0, $0xb8;
	[tilespmem:$0x18200] =	vst v63  }
0x36: {  	s13 =	simm.s32 $0x9A00  }
0x37: {  	[hbm4b:s28+s6] =	stream.indirect_vreg.scatter [tilespmem:s13], [sflag:$0x9], $0x80, v4, vm0, $0xb8;
	[tilespmem:$0x18200] =	vst v63  }
0x38: {  	s14 =	simm.s32 $0xA200  }
0x39: {  	[hbm4b:s29+s6] =	stream.indirect_vreg.scatter [tilespmem:s14], [sflag:$0x9], $0x80, v4, vm0, $0xb8;
	[tilespmem:$0x18200] =	vst v63  }
0x3a: {  	s15 =	simm.s32 $0xAA00;
	v3 =	vperm.xlane v3, v2  }
0x3b: {  	[hbm4b:s30+s6] =	stream.indirect_vreg.scatter [tilespmem:s15], [sflag:$0x9], $0x80, v4, vm0, $0xb8;
	[tilespmem:$0x18200] =	vst v63  }
0x3c: {  	s16 =	simm.s32 $0xB200;
	v3 =	vadd.s32 v1, v3  }
0x3d: {  	[hbm4b:s31+s6] =	stream.indirect_vreg.scatter [tilespmem:s16], [sflag:$0x9], $0x80, v4, vm0, $0xb8;
	[tilespmem:$0x18200] =	vst v63  }
0x3e: {  	s25 =	simm.s32 $0xBA00  }
0x3f: {  	[hbm4b:s1+s6] =	stream.indirect_vreg.scatter [tilespmem:s25], [sflag:$0x9], $0x80, v4, vm0, $0xb8;
	[tilespmem:$0x18200] =	vst v63  }
0x40: {  	s4 =	simm.s32 $0xC200  }
0x41: {  	[hbm4b:s0+s6] =	stream.indirect_vreg.scatter [tilespmem:s4], [sflag:$0x9], $0x80, v3, vm0, $0xb8;
	[tilespmem:$0x18200] =	vst v63  }
0x42: {  	s8 =	simm.s32 $0xCA00  }
0x43: {  	[hbm4b:s24+s6] =	stream.indirect_vreg.scatter [tilespmem:s8], [sflag:$0x9], $0x80, v3, vm0, $0xb8;
	[tilespmem:$0x18200] =	vst v63  }
0x44: {  	s12 =	simm.s32 $0xD200  }
0x45: {  	[hbm4b:s26+s6] =	stream.indirect_vreg.scatter [tilespmem:s12], [sflag:$0x9], $0x80, v3, vm0, $0xb8;
	[tilespmem:$0x18200] =	vst v63  }
0x46: {  	s13 =	simm.s32 $0xDA00  }
0x47: {  	[hbm4b:s28+s6] =	stream.indirect_vreg.scatter [tilespmem:s13], [sflag:$0x9], $0x80, v3, vm0, $0xb8;
	[tilespmem:$0x18200] =	vst v63  }
0x48: {  	s14 =	simm.s32 $0xE200  }
0x49: {  	[hbm4b:s29+s6] =	stream.indirect_vreg.scatter [tilespmem:s14], [sflag:$0x9], $0x80, v3, vm0, $0xb8;
	[tilespmem:$0x18200] =	vst v63  }
0x4a: {  	s15 =	simm.s32 $0xEA00  }
0x4b: {  	[hbm4b:s30+s6] =	stream.indirect_vreg.scatter [tilespmem:s15], [sflag:$0x9], $0x80, v3, vm0, $0xb8;
	[tilespmem:$0x18200] =	vst v63  }
0x4c: {  	s16 =	simm.s32 $0xF200  }
0x4d: {  	[hbm4b:s31+s6] =	stream.indirect_vreg.scatter [tilespmem:s16], [sflag:$0x9], $0x80, v3, vm0, $0xb8;
	[tilespmem:$0x18200] =	vst v63  }
0x4e: {  	p4 =	por $0x1, $0x1;
	p3 =	por $0x0, $0x0;
	s25 =	simm.s32 $0xFA00  }
0x4f: {  	[hbm4b:s1+s6] =	stream.indirect_vreg.scatter [tilespmem:s25], [sflag:$0x9], $0x80, v3, vm0, $0xb8;
	[tilespmem:$0x18200] =	vst v63  }
.LBB2_14:
0x50: {  	s0 =	sadd.s32 $0x1E, s7  }
0x51: {  	s3 =	smulhi.u32 $0x55555556, s0;
	s4 =	sshra.s32 s0, $0x1F  }
0x52: {  	s4 =	smul.u32 $0x55555556, s4;
	_ =	sdelay $0x1  }
0x53: {  	s3 =	sadd.s32 s4, s3  }
0x54: {  	s4 =	sshrl.u32 s3, $0x1F  }
0x55: {  	s3 =	sadd.s32 s4, s3  }
0x56: {  	s3 =	smul.u32 $0x3, s3;
	_ =	sdelay $0x1  }
0x57: {  	s3 =	ssub.s32 s0, s3  }
0x58: {  	p2 =	slt.s32 s3, $0x0;
	s0 =	sadd.s32 $0x3, s3  }
0x59: {  	p5 =	seq.s32 s2, $0x0;
	s3 =	smov.u32 @p2 s0  }
0x5a: {  	p2 =	sne.s32 @!p5 s3, $0x0  }
0x5b: {  	p2 =	por p5, !p2  }
0x5c: {  	s0 =	simm.s32 @p2 $0x8  }
0x5d: {  	s16 =	rddreg [dreg:$0xd];
	_ =	swait.ge @p2 [sflag:s0], $0x8000  }
0x5e: {  	p4 =	por !p4, !p4;
	p5 =	sne.s32 s3, $0x1;
	[sflag:s0] =	ssyncset.done @p2 $0x0  }
0x5f: {  	[sflag:s0] =	ssyncadd.s32 @p2 $0xFFFF8000;
	p2 =	por !p5, !p4  }
0x60: {  	p2 =	por !p2, !p2  }
0x61: {  	p3 =	por !p3, !p3;
	p5 =	sne.s32 s3, $0x2;
	s0 =	simm.s32 @!p2 $0x9  }
0x62: {  	p3 =	por !p5, !p3;
	_ =	swait.ge @!p2 [sflag:s0], $0x8000  }
0x63: {  	p3 =	por !p3, !p3;
	[sflag:s0] =	ssyncset.done @!p2 $0x0  }
0x64: {  	[sflag:s0] =	ssyncadd.s32 @!p2 $0xFFFF8000;
	s0 =	simm.s32 @!p3 $0xA  }
0x65: {  	_ =	swait.ge @!p3 [sflag:s0], $0x8000  }
0x66: {  	s4 =	sadd.s32 $0x1, s16;
	s25 =	rddreg [dreg:$0xc]  }
0x67: {  	p2 =	sne.s32 s4, s25  }
.Ltmp1:
0x68: {  	_ = 	snop;
	(pc) =	sbr.rel @!p2 .LBB2_15-.Ltmp1, $3  }
0x69: {  	_ =	sdelay $0x1  }
0x6a: {  	[sflag:s0] =	ssyncset.done @!p3 $0x0  }
0x6b: {  	[sflag:s0] =	ssyncadd.s32 @!p3 $0xFFFF8000  }
.LBB2_1:
0x6c: {  	[dreg:$0xd] =	wrdreg s4  }
0x6d: {  	s0 =	rddreg [dreg:$0x7];
	s12 =	simm.s32 $0x1  }
0x6e: {  	[tilespmem:s6], [sflag:$0x1] =	stream.linear.gather [hbm4b:s0+s6], $0x80, $0x38;
	[tilespmem:$0x18200] =	vst v63  }
0x6f: {  	_ =	swait.ge [sflag:s12], $0x80  }
0x70: {  	[sflag:s12] =	ssyncset.done $0x0  }
0x71: {  	[sflag:s12] =	ssyncadd.s32 $0xFFFFFF80  }
0x72: {  	v3 =	vld [tilespmem:$0x0];
	_ =	sdelay $0x4  }
0x73: {  	(v2sf) =	vpush v3, $0x0  }
0x74: {  	(v2sf) =	vpush v3, $0x1  }
0x75: {  	(v2sf) =	vpush v3, $0x2  }
0x76: {  	(v2sf) =	vpush v3, $0x3  }
0x77: {  	(v2sf) =	vpush v3, $0x4  }
0x78: {  	(v2sf) =	vpush v3, $0x5;
	_ =	sdelay $0x1  }
0x79: {  	(v2sf) =	vpush v3, $0x6  }
0x7a: {  	(v2sf) =	vpush v3, $0x7  }
0x7b: {  	(v2sf) =	vpush v3, $0x8  }
0x7c: {  	s13 =	sld [smem:$0x7FD]  }
0x7d: {  	s14 =	sld [smem:$0x7FC]  }
0x7e: {  	s15 =	sld [smem:$0x7FB]  }
0x7f: {  	s16 =	sld [smem:$0x7FA]  }
0x80: {  	s25 =	sld [smem:$0x7F9]  }
0x81: {  	s4 =	sld [smem:$0x7F8];
	(v2sf) =	vpush v3, $0x9;
	s2 =	spop (v2sf)  }
0x82: {  	s12 =	sld [smem:$0x7F6];
	p2 =	seq.s32 s13, $0x1;
	(v2sf) =	vpush v3, $0xA;
	s3 =	spop (v2sf)  }
0x83: {  	(v2sf) =	vpush v3, $0xB;
	s2 =	simm.s32 @!p1 $0x0;
	s7 =	spop (v2sf);
	s3 =	simm.s32 @!p0 $0x0  }
0x84: {  	(v2sf) =	vpush v3, $0xC;
	s8 =	spop (v2sf);
	s2 =	sadd.s32 s3, s2;
	s7 =	simm.s32 @!p6 $0x0  }
0x85: {  	s13 =	sld [smem:$0x7F5];
	(v2sf) =	vpush v3, $0xD;
	s3 =	spop (v2sf);
	s2 =	sadd.s32 s7, s2  }
0x86: {  	s8 =	simm.s32 @!p2 $0x0;
	p2 =	seq.s32 s14, $0x1;
	s7 =	spop (v2sf)  }
0x87: {  	s2 =	sadd.s32 s8, s2;
	s3 =	simm.s32 @!p2 $0x0;
	p2 =	seq.s32 s15, $0x1  }
0x88: {  	(v2sf) =	vpush v3, $0xE;
	s8 =	spop (v2sf);
	s2 =	sadd.s32 s3, s2;
	s7 =	simm.s32 @!p2 $0x0  }
0x89: {  	(v2sf) =	vpush v3, $0xF;
	p2 =	seq.s32 s16, $0x1;
	s3 =	spop (v2sf);
	s2 =	sadd.s32 s7, s2  }
0x8a: {  	s8 =	simm.s32 @!p2 $0x0;
	p2 =	seq.s32 s25, $0x1;
	s7 =	spop (v2sf)  }
0x8b: {  	s2 =	sadd.s32 s8, s2;
	s3 =	simm.s32 @!p2 $0x0;
	p2 =	seq.s32 s4, $0x1  }
0x8c: {  	s14 =	sld [smem:$0x7F4];
	s2 =	sadd.s32 s3, s2;
	s7 =	simm.s32 @!p2 $0x0  }
0x8d: {  	s2 =	sadd.s32 s7, s2;
	s7 =	sld [smem:$0x7F7]  }
0x8e: {  	s15 =	sld [smem:$0x7F3]  }
0x8f: {  	s16 =	sld [smem:$0x7F2]  }
0x90: {  	s25 =	sld [smem:$0x7F1];
	s8 =	spop (v2sf);
	p2 =	seq.s32 s7, $0x1  }
0x91: {  	s3 =	spop (v2sf);
	s8 =	simm.s32 @!p2 $0x0;
	p2 =	seq.s32 s12, $0x1  }
0x92: {  	s7 =	spop (v2sf);
	s2 =	sadd.s32 s8, s2;
	s3 =	simm.s32 @!p2 $0x0  }
0x93: {  	s8 =	spop (v2sf);
	p2 =	seq.s32 s13, $0x1;
	s2 =	sadd.s32 s3, s2  }
0x94: {  	s7 =	simm.s32 @!p2 $0x0;
	s3 =	spop (v2sf);
	p2 =	seq.s32 s14, $0x1  }
0x95: {  	s2 =	sadd.s32 s7, s2;
	s8 =	simm.s32 @!p2 $0x0;
	p2 =	seq.s32 s15, $0x1  }
0x96: {  	s2 =	sadd.s32 s8, s2;
	s3 =	simm.s32 @!p2 $0x0  }
0x97: {  	s7 =	spop (v2sf);
	p2 =	seq.s32 s16, $0x1;
	s2 =	sadd.s32 s3, s2  }
0x98: {  	s7 =	simm.s32 @!p2 $0x0;
	s3 =	spop (v2sf);
	p2 =	seq.s32 s25, $0x1  }
0x99: {  	s2 =	sadd.s32 s7, s2;
	s3 =	simm.s32 @!p2 $0x0  }
0x9a: {  	s2 =	sadd.s32 s3, s2  }
0x9b: {  	s8 =	simm.s32 $0x1;
	s3 =	sadd.s32 $0xF, s2  }
0x9c: {  	s25 =	sand.u32 $0xF, s2;
	s12 =	sshra.s32 s2, $0x1F;
	s0 =	sand.u32 $0xF, s3  }
0x9d: {  	p5 =	slt.s32 s3, $0x1;
	s4 =	sshra.s32 s3, $0x1F;
	p3 =	sne.s32 s0, $0x0  }
0x9e: {  	p4 =	slt.s32 s2, $0x1;
	s7 =	sshrl.u32 s4, $0x1C;
	p2 =	por !p5, !p3  }
0x9f: {  	s4 =	sshrl.u32 s12, $0x1C;
	p5 =	sne.s32 s25, $0x0;
	p2 =	por !p2, !p2  }
0xa0: {  	s3 =	sadd.s32 s7, s3;
	s8 =	simm.s32 @!p2 $0x0;
	p2 =	por !p4, !p5  }
0xa1: {  	s2 =	sadd.s32 s4, s2;
	s4 =	simm.s32 $0x1;
	p2 =	por !p2, !p2  }
0xa2: {  	s3 =	sshra.s32 s3, $0x4;
	s13 =	sshra.s32 s2, $0x4;
	s4 =	simm.s32 @!p2 $0x0  }
0xa3: {  	s2 =	ssub.s32 s3, s8;
	s14 =	ssub.s32 s13, s4  }
0xa4: {  	s16 =	simm.s32 $0x80;
	s15 =	ssub.s32 s14, s2  }
0xa5: {  	s0 =	rddreg [dreg:$0x0];
	p2 =	sgt.s32 s2, $0x0;
	s4 =	sshll.u32 s15, $0x4  }
.Ltmp2:
0xa6: {  	s7 =	rddreg [dreg:$0x1];
	s4 =	simm.s32 @p2 $0x0;
	(pc) =	sbr.rel .LBB2_2-.Ltmp2, $4  }
0xa7: {  	s25 =	ssub.s32 s2, s14;
	[dreg:$0xf] =	wrdreg s15;
	s4 =	sadd.s32 s9, s4  }
0xa8: {  	s7 =	smov.u32 @p2 s0;
	[dreg:$0xe] =	wrdreg s25;
	s4 =	sshrl.u32 s4, $0x3  }
0xa9: {  	s25 =	sadd.s32 $0x20, s25;
	s4 =	sadd.s32 s7, s4;
	s7 =	simm.s32 $0x0  }
0xaa: {  	[tilespmem:s16], [sflag:$0x2] =	stream.linear.gather [hbm4b:s4+s6], $0x10, $0x38;
	[tilespmem:$0x18200] =	vst v63  }
.LBB2_8:
0xab: {  	s7 =	sadd.s32 $0x3, s7  }
0xac: {  	p2 =	sne.s32 s7, $0x21  }
.Ltmp3:
0xad: {  	_ = 	snop;
	(pc) =	sbr.rel @!p2 .LBB2_9-.Ltmp3, $1  }
0xae: {  	_ =	sdelay $0x3  }
.LBB2_2:
0xaf: {  	p3 =	sge.s32 s7, s25  }
.Ltmp4:
0xb0: {  	_ = 	snop;
	(pc) =	sbr.rel @p3 .LBB2_4-.Ltmp4, $2  }
0xb1: {  	_ =	sdelay $0x2  }
0xb2: {  	p2 =	seq.s32 s7, $0x0  }
0xb3: {  	s3 =	sadd.s32 $0x1, s7  }
0xb4: {  	s0 =	simm.s32 $0x2;
	p3 =	sge.u32 s3, s25  }
0xb5: {  	p4 =	slt.s32 @!p3 s3, s2;
	s3 =	rddreg [dreg:$0xf];
	_ =	swait.ge [sflag:s0], $0x10  }
0xb6: {  	p4 =	por !p4, p3;
	[sflag:s0] =	ssyncset.done $0x0  }
0xb7: {  	s4 =	simm.s32 @!p2 $0x9;
	s3 =	simm.s32 @!p4 $0x0;
	[sflag:s0] =	ssyncadd.s32 $0xFFFFFFF0  }
0xb8: {  	s3 =	sadd.s32 @!p3 s7, s3;
	_ =	swait.ge @!p2 [sflag:s4], $0x8000  }
0xb9: {  	s3 =	sshll.u32 @!p3 s3, $0x4;
	[sflag:s4] =	ssyncset.done @!p2 $0x0  }
0xba: {  	s3 =	sadd.s32 @!p3 s9, s3;
	s0 =	rddreg [dreg:$0x0];
	[sflag:s4] =	ssyncadd.s32 @!p2 $0xFFFF8000  }
0xbb: {  	s3 =	sadd.s32 @!p3 $0x10, s3;
	s4 =	rddreg [dreg:$0x1]  }
0xbc: {  	s3 =	sshrl.u32 @!p3 s3, $0x3;
	s0 =	smov.u32 @p4 s4  }
0xbd: {  	s4 =	simm.s32 @!p3 $0x100;
	s0 =	sadd.s32 @!p3 s0, s3;
	s3 =	simm.s32 @!p3 $0x0  }
0xbe: {  	[tilespmem:s4], [sflag:$0x3] =	stream.linear.gather @!p3 [hbm4b:s0+s3], $0x10, $0x38;
	[tilespmem:$0x18200] =	vst v63  }
0xbf: {  	v3 =	vld [tilespmem:$0x80];
	_ =	sdelay $0x4  }
0xc0: {  	v4 =	vshll.u32 v3, $0x4  }
0xc1: {  	v3 =	vand.u32 $0x7, v3;
	v4 =	vand.u32 $0xFFFFFF80, v4  }
0xc2: {  	v3 =	vor.u32 v3, v4  }
0xc3: {  	v4 =	vperm.xlane v3, v0;
	_ =	sdelay $0x1  }
0xc4: {  	s16 =	simm.s32 $0x200;
	v4 =	vadd.s32 v1, v4  }
0xc5: {  	s12 =	simm.s32 $0xA00;
	s13 =	simm.s32 $0x1200;
	s0 =	rddreg [dreg:$0x4]  }
0xc6: {  	s14 =	simm.s32 $0x1A00;
	s15 =	simm.s32 $0x2200;
	s3 =	rddreg [dreg:$0x3]  }
0xc7: {  	s8 =	smov.u32 s31;
	p3 =	slt.s32 s7, s2;
	s4 =	rddreg [dreg:$0xa]  }
0xc8: {  	s31 =	smov.u32 s30;
	s0 =	smov.u32 @p3 s3;
	s3 =	rddreg [dreg:$0x8]  }
0xc9: {  	[tilespmem:s16], [sflag:$0x5] =	stream.indirect_vreg.gather [hbm4b:s0+s6], $0x80, v4, vm0, $0xb8;
	[tilespmem:$0x18200] =	vst v63  }
0xca: {  	s30 =	smov.u32 s29;
	s3 =	smov.u32 @p3 s4;
	s4 =	rddreg [dreg:$0x9]  }
0xcb: {  	[tilespmem:s12], [sflag:$0x5] =	stream.indirect_vreg.gather [hbm4b:s3+s6], $0x80, v4, vm0, $0xb8;
	[tilespmem:$0x18200] =	vst v63  }
0xcc: {  	s29 =	smov.u32 s28;
	s28 =	smov.u32 s26;
	s12 =	rddreg [dreg:$0xb]  }
0xcd: {  	s26 =	smov.u32 s24;
	s4 =	smov.u32 @p3 s12;
	s12 =	smov.u32 s5  }
0xce: {  	[tilespmem:s13], [sflag:$0x5] =	stream.indirect_vreg.gather [hbm4b:s4+s6], $0x80, v4, vm0, $0xb8;
	[tilespmem:$0x18200] =	vst v63  }
0xcf: {  	s24 =	smov.u32 s9;
	s12 =	smov.u32 @p3 s19;
	s13 =	smov.u32 s17  }
0xd0: {  	[tilespmem:s14], [sflag:$0x5] =	stream.indirect_vreg.gather [hbm4b:s12+s6], $0x80, v4, vm0, $0xb8;
	[tilespmem:$0x18200] =	vst v63  }
0xd1: {  	s9 =	smov.u32 s11;
	s13 =	smov.u32 @p3 s20;
	s14 =	smov.u32 s10  }
0xd2: {  	[tilespmem:s15], [sflag:$0x5] =	stream.indirect_vreg.gather [hbm4b:s13+s6], $0x80, v4, vm0, $0xb8;
	[tilespmem:$0x18200] =	vst v63  }
0xd3: {  	s16 =	simm.s32 $0x2A00;
	s14 =	smov.u32 @p3 s21;
	s15 =	smov.u32 s18  }
0xd4: {  	[tilespmem:s16], [sflag:$0x5] =	stream.indirect_vreg.gather [hbm4b:s14+s6], $0x80, v4, vm0, $0xb8;
	[tilespmem:$0x18200] =	vst v63  }
0xd5: {  	s15 =	smov.u32 @p3 s22;
	s16 =	smov.u32 s11;
	s11 =	smov.u32 s23  }
0xd6: {  	s23 =	smov.u32 s18;
	s18 =	smov.u32 s22;
	s22 =	smov.u32 s10  }
0xd7: {  	s10 =	smov.u32 s21;
	s21 =	smov.u32 s17;
	s17 =	smov.u32 s20  }
0xd8: {  	s20 =	smov.u32 s5;
	s5 =	smov.u32 s19;
	s19 =	simm.s32 $0x3200  }
0xd9: {  	[tilespmem:s19], [sflag:$0x5] =	stream.indirect_vreg.gather [hbm4b:s15+s6], $0x80, v4, vm0, $0xb8;
	[tilespmem:$0x18200] =	vst v63  }
0xda: {  	s19 =	smov.u32 s5  }
0xdb: {  	s5 =	smov.u32 s20;
	s20 =	smov.u32 s17;
	s17 =	smov.u32 s21  }
0xdc: {  	v3 =	vperm.xlane v3, v2;
	s21 =	smov.u32 s10;
	s10 =	smov.u32 s22;
	s22 =	smov.u32 s18  }
0xdd: {  	s18 =	smov.u32 s23;
	s23 =	smov.u32 s11;
	s11 =	smov.u32 s9  }
0xde: {  	v3 =	vadd.s32 v1, v3;
	s9 =	smov.u32 s24;
	s24 =	smov.u32 s26;
	s26 =	smov.u32 s28  }
0xdf: {  	s28 =	smov.u32 s29;
	s29 =	smov.u32 s30;
	s30 =	smov.u32 s31  }
0xe0: {  	s31 =	smov.u32 s8;
	s8 =	simm.s32 $0x3A00;
	s16 =	smov.u32 @p3 s23  }
0xe1: {  	[tilespmem:s8], [sflag:$0x5] =	stream.indirect_vreg.gather [hbm4b:s16+s6], $0x80, v4, vm0, $0xb8;
	[tilespmem:$0x18200] =	vst v63  }
0xe2: {  	s8 =	simm.s32 $0x4200  }
0xe3: {  	[tilespmem:s8], [sflag:$0x5] =	stream.indirect_vreg.gather [hbm4b:s0+s6], $0x80, v3, vm0, $0xb8;
	[tilespmem:$0x18200] =	vst v63  }
0xe4: {  	s8 =	simm.s32 $0x4A00  }
0xe5: {  	[tilespmem:s8], [sflag:$0x5] =	stream.indirect_vreg.gather [hbm4b:s3+s6], $0x80, v3, vm0, $0xb8;
	[tilespmem:$0x18200] =	vst v63  }
0xe6: {  	s3 =	simm.s32 $0x5200  }
0xe7: {  	[tilespmem:s3], [sflag:$0x5] =	stream.indirect_vreg.gather [hbm4b:s4+s6], $0x80, v3, vm0, $0xb8;
	[tilespmem:$0x18200] =	vst v63  }
0xe8: {  	s8 =	simm.s32 $0x5A00  }
0xe9: {  	[tilespmem:s8], [sflag:$0x5] =	stream.indirect_vreg.gather [hbm4b:s12+s6], $0x80, v3, vm0, $0xb8;
	[tilespmem:$0x18200] =	vst v63  }
0xea: {  	s12 =	simm.s32 $0x6200  }
0xeb: {  	[tilespmem:s12], [sflag:$0x5] =	stream.indirect_vreg.gather [hbm4b:s13+s6], $0x80, v3, vm0, $0xb8;
	[tilespmem:$0x18200] =	vst v63  }
0xec: {  	s13 =	simm.s32 $0x6A00  }
0xed: {  	[tilespmem:s13], [sflag:$0x5] =	stream.indirect_vreg.gather [hbm4b:s14+s6], $0x80, v3, vm0, $0xb8;
	[tilespmem:$0x18200] =	vst v63  }
0xee: {  	s14 =	simm.s32 $0x7200  }
0xef: {  	[tilespmem:s14], [sflag:$0x5] =	stream.indirect_vreg.gather [hbm4b:s15+s6], $0x80, v3, vm0, $0xb8;
	[tilespmem:$0x18200] =	vst v63  }
0xf0: {  	s0 =	simm.s32 @!p2 $0x7;
	s15 =	simm.s32 $0x7A00  }
0xf1: {  	[tilespmem:s15], [sflag:$0x5] =	stream.indirect_vreg.gather [hbm4b:s16+s6], $0x80, v3, vm0, $0xb8;
	[tilespmem:$0x18200] =	vst v63  }
0xf2: {  	_ =	swait.ge @!p2 [sflag:s0], $0x8000  }
0xf3: {  	[sflag:s0] =	ssyncset.done @!p2 $0x0  }
0xf4: {  	[sflag:s0] =	ssyncadd.s32 @!p2 $0xFFFF8000  }
0xf5: {  	v3 =	vld @!p2 [tilespmem:$0x180];
	_ =	sdelay $0x4  }
0xf6: {  	v4 =	vshll.u32 @!p2 v3, $0x4  }
0xf7: {  	v5 =	vlaneseq.u32 @!p2;
	v3 =	vand.u32 @!p2 $0x7, v3;
	v4 =	vand.u32 @!p2 $0xFFFFFF80, v4  }
0xf8: {  	v6 =	vshrl.u32 @!p2 v5, $0x3;
	v3 =	vor.u32 @!p2 v3, v4;
	v4 =	vand.u32 @!p2 $0x7, v5  }
0xf9: {  	v6 =	vmul.u32 @!p2 $0x8, v6;
	v4 =	vperm.xlane @!p2 v3, v4;
	_ =	sdelay $0x1  }
0xfa: {  	v4 =	vadd.s32 @!p2 v6, v4;
	_ =	sdelay $0x3  }
0xfb: {  	vm1 =	vmmov @!p2 $0xffff;
	s3 =	simm.s32 @!p2 $0x10200;
	s0 =	simm.s32 @!p2 $0x0;
	s4 =	rddreg [dreg:$0x5]  }
0xfc: {  	[hbm4b:s4+s0] =	stream.indirect_vreg.scatter @!p2 [tilespmem:s3], [sflag:$0xA], $0x80, v4, vm1, $0xb8;
	[tilespmem:$0x18200] =	vst v63  }
0xfd: {  	s3 =	simm.s32 @!p2 $0x10A00  }
0xfe: {  	[hbm4b:s24+s0] =	stream.indirect_vreg.scatter @!p2 [tilespmem:s3], [sflag:$0xA], $0x80, v4, vm1, $0xb8;
	[tilespmem:$0x18200] =	vst v63  }
0xff: {  	s3 =	simm.s32 @!p2 $0x11200  }
0x100: {  	[hbm4b:s26+s0] =	stream.indirect_vreg.scatter @!p2 [tilespmem:s3], [sflag:$0xA], $0x80, v4, vm1, $0xb8;
	[tilespmem:$0x18200] =	vst v63  }
0x101: {  	s3 =	simm.s32 @!p2 $0x11A00  }
0x102: {  	[hbm4b:s28+s0] =	stream.indirect_vreg.scatter @!p2 [tilespmem:s3], [sflag:$0xA], $0x80, v4, vm1, $0xb8;
	[tilespmem:$0x18200] =	vst v63  }
0x103: {  	s3 =	simm.s32 @!p2 $0x12200  }
0x104: {  	v5 =	vor.u32 @!p2 $0x8, v5;
	[hbm4b:s29+s0] =	stream.indirect_vreg.scatter @!p2 [tilespmem:s3], [sflag:$0xA], $0x80, v4, vm1, $0xb8;
	[tilespmem:$0x18200] =	vst v63  }
0x105: {  	v3 =	vperm.xlane @!p2 v3, v5;
	s3 =	simm.s32 @!p2 $0x12A00  }
0x106: {  	[hbm4b:s30+s0] =	stream.indirect_vreg.scatter @!p2 [tilespmem:s3], [sflag:$0xA], $0x80, v4, vm1, $0xb8;
	[tilespmem:$0x18200] =	vst v63  }
0x107: {  	v3 =	vadd.s32 @!p2 v6, v3;
	s3 =	simm.s32 @!p2 $0x13200  }
0x108: {  	[hbm4b:s31+s0] =	stream.indirect_vreg.scatter @!p2 [tilespmem:s3], [sflag:$0xA], $0x80, v4, vm1, $0xb8;
	[tilespmem:$0x18200] =	vst v63  }
0x109: {  	s3 =	simm.s32 @!p2 $0x13A00  }
0x10a: {  	[hbm4b:s1+s0] =	stream.indirect_vreg.scatter @!p2 [tilespmem:s3], [sflag:$0xA], $0x80, v4, vm1, $0xb8;
	[tilespmem:$0x18200] =	vst v63  }
0x10b: {  	s3 =	simm.s32 @!p2 $0x14200  }
0x10c: {  	[hbm4b:s4+s0] =	stream.indirect_vreg.scatter @!p2 [tilespmem:s3], [sflag:$0xA], $0x80, v3, vm1, $0xb8;
	[tilespmem:$0x18200] =	vst v63  }
0x10d: {  	s3 =	simm.s32 @!p2 $0x14A00  }
0x10e: {  	[hbm4b:s24+s0] =	stream.indirect_vreg.scatter @!p2 [tilespmem:s3], [sflag:$0xA], $0x80, v3, vm1, $0xb8;
	[tilespmem:$0x18200] =	vst v63  }
0x10f: {  	s3 =	simm.s32 @!p2 $0x15200  }
0x110: {  	[hbm4b:s26+s0] =	stream.indirect_vreg.scatter @!p2 [tilespmem:s3], [sflag:$0xA], $0x80, v3, vm1, $0xb8;
	[tilespmem:$0x18200] =	vst v63  }
0x111: {  	s3 =	simm.s32 @!p2 $0x15A00  }
0x112: {  	[hbm4b:s28+s0] =	stream.indirect_vreg.scatter @!p2 [tilespmem:s3], [sflag:$0xA], $0x80, v3, vm1, $0xb8;
	[tilespmem:$0x18200] =	vst v63  }
0x113: {  	s3 =	simm.s32 @!p2 $0x16200  }
0x114: {  	[hbm4b:s29+s0] =	stream.indirect_vreg.scatter @!p2 [tilespmem:s3], [sflag:$0xA], $0x80, v3, vm1, $0xb8;
	[tilespmem:$0x18200] =	vst v63  }
0x115: {  	s3 =	simm.s32 @!p2 $0x16A00  }
0x116: {  	[hbm4b:s30+s0] =	stream.indirect_vreg.scatter @!p2 [tilespmem:s3], [sflag:$0xA], $0x80, v3, vm1, $0xb8;
	[tilespmem:$0x18200] =	vst v63  }
0x117: {  	s3 =	simm.s32 @!p2 $0x17200  }
0x118: {  	[hbm4b:s31+s0] =	stream.indirect_vreg.scatter @!p2 [tilespmem:s3], [sflag:$0xA], $0x80, v3, vm1, $0xb8;
	[tilespmem:$0x18200] =	vst v63  }
0x119: {  	s3 =	simm.s32 @!p2 $0x17A00  }
0x11a: {  	[hbm4b:s1+s0] =	stream.indirect_vreg.scatter @!p2 [tilespmem:s3], [sflag:$0xA], $0x80, v3, vm1, $0xb8;
	[tilespmem:$0x18200] =	vst v63  }
.LBB2_4:
0x11b: {  	s3 =	sadd.s32 $0x1, s7  }
0x11c: {  	p3 =	sge.s32 s3, s25  }
.Ltmp5:
0x11d: {  	_ = 	snop;
	(pc) =	sbr.rel @p3 .LBB2_6-.Ltmp5, $1  }
0x11e: {  	_ =	sdelay $0x3  }
0x11f: {  	s0 =	sadd.s32 $0x2, s7  }
0x120: {  	s4 =	simm.s32 $0x3;
	p3 =	sge.s32 s0, s25  }
0x121: {  	p4 =	slt.s32 @!p3 s0, s2;
	s0 =	rddreg [dreg:$0xf];
	_ =	swait.ge [sflag:s4], $0x10  }
0x122: {  	p4 =	por !p4, p3;
	[sflag:s4] =	ssyncset.done $0x0  }
0x123: {  	s0 =	simm.s32 @!p4 $0x0;
	[sflag:s4] =	ssyncadd.s32 $0xFFFFFFF0;
	s4 =	simm.s32 @!p2 $0xA  }
0x124: {  	s0 =	sadd.s32 @!p3 s7, s0;
	_ =	swait.ge @!p2 [sflag:s4], $0x8000  }
0x125: {  	s0 =	sshll.u32 @!p3 s0, $0x4;
	[sflag:s4] =	ssyncset.done @!p2 $0x0  }
0x126: {  	s0 =	sadd.s32 @!p3 s9, s0;
	s12 =	rddreg [dreg:$0x0];
	[sflag:s4] =	ssyncadd.s32 @!p2 $0xFFFF8000  }
0x127: {  	s0 =	sadd.s32 @!p3 $0x20, s0;
	s4 =	rddreg [dreg:$0x1]  }
0x128: {  	s0 =	sshrl.u32 @!p3 s0, $0x3;
	s12 =	smov.u32 @p4 s4  }
0x129: {  	s4 =	simm.s32 @!p3 $0x0;
	s0 =	sadd.s32 @!p3 s12, s0;
	s12 =	simm.s32 @!p3 $0x180  }
0x12a: {  	[tilespmem:s12], [sflag:$0x4] =	stream.linear.gather @!p3 [hbm4b:s0+s4], $0x10, $0x38;
	[tilespmem:$0x18200] =	vst v63  }
0x12b: {  	v3 =	vld [tilespmem:$0x100];
	_ =	sdelay $0x4  }
0x12c: {  	v4 =	vshll.u32 v3, $0x4  }
0x12d: {  	v3 =	vand.u32 $0x7, v3;
	v4 =	vand.u32 $0xFFFFFF80, v4  }
0x12e: {  	v3 =	vor.u32 v3, v4  }
0x12f: {  	v4 =	vperm.xlane v3, v0;
	_ =	sdelay $0x1  }
0x130: {  	p2 =	slt.s32 s3, s2;
	s3 =	rddreg [dreg:$0x3];
	v4 =	vadd.s32 v1, v4  }
0x131: {  	s0 =	rddreg [dreg:$0x4]  }
0x132: {  	s4 =	rddreg [dreg:$0xa]  }
0x133: {  	s0 =	smov.u32 @p2 s3;
	s3 =	rddreg [dreg:$0x8]  }
0x134: {  	s12 =	simm.s32 $0x8200;
	s3 =	smov.u32 @p2 s4;
	s4 =	rddreg [dreg:$0x9]  }
0x135: {  	[tilespmem:s12], [sflag:$0x6] =	stream.indirect_vreg.gather [hbm4b:s0+s6], $0x80, v4, vm0, $0xb8;
	[tilespmem:$0x18200] =	vst v63  }
0x136: {  	s8 =	simm.s32 $0x8A00;
	s12 =	rddreg [dreg:$0xb]  }
0x137: {  	[tilespmem:s8], [sflag:$0x6] =	stream.indirect_vreg.gather [hbm4b:s3+s6], $0x80, v4, vm0, $0xb8;
	[tilespmem:$0x18200] =	vst v63  }
0x138: {  	s13 =	simm.s32 $0x9200;
	s4 =	smov.u32 @p2 s12;
	s12 =	smov.u32 s5  }
0x139: {  	[tilespmem:s13], [sflag:$0x6] =	stream.indirect_vreg.gather [hbm4b:s4+s6], $0x80, v4, vm0, $0xb8;
	[tilespmem:$0x18200] =	vst v63  }
0x13a: {  	s14 =	simm.s32 $0x9A00;
	s12 =	smov.u32 @p2 s19;
	s13 =	smov.u32 s17  }
0x13b: {  	[tilespmem:s14], [sflag:$0x6] =	stream.indirect_vreg.gather [hbm4b:s12+s6], $0x80, v4, vm0, $0xb8;
	[tilespmem:$0x18200] =	vst v63  }
0x13c: {  	s15 =	simm.s32 $0xA200;
	s13 =	smov.u32 @p2 s20;
	s14 =	smov.u32 s10  }
0x13d: {  	[tilespmem:s15], [sflag:$0x6] =	stream.indirect_vreg.gather [hbm4b:s13+s6], $0x80, v4, vm0, $0xb8;
	[tilespmem:$0x18200] =	vst v63  }
0x13e: {  	s16 =	simm.s32 $0xAA00;
	v3 =	vperm.xlane v3, v2;
	s14 =	smov.u32 @p2 s21;
	s15 =	smov.u32 s18  }
0x13f: {  	[tilespmem:s16], [sflag:$0x6] =	stream.indirect_vreg.gather [hbm4b:s14+s6], $0x80, v4, vm0, $0xb8;
	[tilespmem:$0x18200] =	vst v63  }
0x140: {  	v3 =	vadd.s32 v1, v3;
	s8 =	simm.s32 $0xB200;
	s15 =	smov.u32 @p2 s22;
	s16 =	smov.u32 s11  }
0x141: {  	[tilespmem:s8], [sflag:$0x6] =	stream.indirect_vreg.gather [hbm4b:s15+s6], $0x80, v4, vm0, $0xb8;
	[tilespmem:$0x18200] =	vst v63  }
0x142: {  	s16 =	smov.u32 @p2 s23;
	s8 =	simm.s32 $0xBA00  }
0x143: {  	[tilespmem:s8], [sflag:$0x6] =	stream.indirect_vreg.gather [hbm4b:s16+s6], $0x80, v4, vm0, $0xb8;
	[tilespmem:$0x18200] =	vst v63  }
0x144: {  	s8 =	simm.s32 $0xC200  }
0x145: {  	[tilespmem:s8], [sflag:$0x6] =	stream.indirect_vreg.gather [hbm4b:s0+s6], $0x80, v3, vm0, $0xb8;
	[tilespmem:$0x18200] =	vst v63  }
0x146: {  	s8 =	simm.s32 $0xCA00  }
0x147: {  	[tilespmem:s8], [sflag:$0x6] =	stream.indirect_vreg.gather [hbm4b:s3+s6], $0x80, v3, vm0, $0xb8;
	[tilespmem:$0x18200] =	vst v63  }
0x148: {  	s8 =	simm.s32 $0xD200  }
0x149: {  	[tilespmem:s8], [sflag:$0x6] =	stream.indirect_vreg.gather [hbm4b:s4+s6], $0x80, v3, vm0, $0xb8;
	[tilespmem:$0x18200] =	vst v63  }
0x14a: {  	s3 =	simm.s32 $0xDA00  }
0x14b: {  	[tilespmem:s3], [sflag:$0x6] =	stream.indirect_vreg.gather [hbm4b:s12+s6], $0x80, v3, vm0, $0xb8;
	[tilespmem:$0x18200] =	vst v63  }
0x14c: {  	s4 =	simm.s32 $0xE200  }
0x14d: {  	[tilespmem:s4], [sflag:$0x6] =	stream.indirect_vreg.gather [hbm4b:s13+s6], $0x80, v3, vm0, $0xb8;
	[tilespmem:$0x18200] =	vst v63  }
0x14e: {  	s8 =	simm.s32 $0xEA00  }
0x14f: {  	[tilespmem:s8], [sflag:$0x6] =	stream.indirect_vreg.gather [hbm4b:s14+s6], $0x80, v3, vm0, $0xb8;
	[tilespmem:$0x18200] =	vst v63  }
0x150: {  	s12 =	simm.s32 $0xF200  }
0x151: {  	[tilespmem:s12], [sflag:$0x6] =	stream.indirect_vreg.gather [hbm4b:s15+s6], $0x80, v3, vm0, $0xb8;
	[tilespmem:$0x18200] =	vst v63  }
0x152: {  	s13 =	simm.s32 $0xFA00;
	s14 =	simm.s32 $0x5  }
0x153: {  	[tilespmem:s13], [sflag:$0x6] =	stream.indirect_vreg.gather [hbm4b:s16+s6], $0x80, v3, vm0, $0xb8;
	[tilespmem:$0x18200] =	vst v63  }
0x154: {  	_ =	swait.ge [sflag:s14], $0x8000  }
0x155: {  	[sflag:s14] =	ssyncset.done $0x0  }
0x156: {  	[sflag:s14] =	ssyncadd.s32 $0xFFFF8000  }
0x157: {  	v3 =	vld [tilespmem:$0x80];
	_ =	sdelay $0x4  }
0x158: {  	v63 =	vshll.u32 v3, $0x4  }
0x159: {  	v3 =	vand.u32 $0x7, v3;
	v4 =	vand.u32 $0xFFFFFF80, v63  }
0x15a: {  	v3 =	vor.u32 v3, v4  }
0x15b: {  	v4 =	vperm.xlane v3, v0;
	_ =	sdelay $0x1  }
0x15c: {  	v4 =	vadd.s32 v1, v4;
	_ =	sdelay $0x3  }
0x15d: {  	s15 =	simm.s32 $0x200;
	s0 =	rddreg [dreg:$0x5]  }
0x15e: {  	[hbm4b:s0+s6] =	stream.indirect_vreg.scatter [tilespmem:s15], [sflag:$0x8], $0x80, v4, vm0, $0xb8;
	[tilespmem:$0x18200] =	vst v63  }
0x15f: {  	s16 =	simm.s32 $0xA00  }
0x160: {  	[hbm4b:s24+s6] =	stream.indirect_vreg.scatter [tilespmem:s16], [sflag:$0x8], $0x80, v4, vm0, $0xb8;
	[tilespmem:$0x18200] =	vst v63  }
0x161: {  	s4 =	simm.s32 $0x1200  }
0x162: {  	[hbm4b:s26+s6] =	stream.indirect_vreg.scatter [tilespmem:s4], [sflag:$0x8], $0x80, v4, vm0, $0xb8;
	[tilespmem:$0x18200] =	vst v63  }
0x163: {  	s8 =	simm.s32 $0x1A00  }
0x164: {  	[hbm4b:s28+s6] =	stream.indirect_vreg.scatter [tilespmem:s8], [sflag:$0x8], $0x80, v4, vm0, $0xb8;
	[tilespmem:$0x18200] =	vst v63  }
0x165: {  	s12 =	simm.s32 $0x2200  }
0x166: {  	[hbm4b:s29+s6] =	stream.indirect_vreg.scatter [tilespmem:s12], [sflag:$0x8], $0x80, v4, vm0, $0xb8;
	[tilespmem:$0x18200] =	vst v63  }
0x167: {  	s13 =	simm.s32 $0x2A00;
	v3 =	vperm.xlane v3, v2  }
0x168: {  	[hbm4b:s30+s6] =	stream.indirect_vreg.scatter [tilespmem:s13], [sflag:$0x8], $0x80, v4, vm0, $0xb8;
	[tilespmem:$0x18200] =	vst v63  }
0x169: {  	s14 =	simm.s32 $0x3200;
	v3 =	vadd.s32 v1, v3  }
0x16a: {  	[hbm4b:s31+s6] =	stream.indirect_vreg.scatter [tilespmem:s14], [sflag:$0x8], $0x80, v4, vm0, $0xb8;
	[tilespmem:$0x18200] =	vst v63  }
0x16b: {  	s15 =	simm.s32 $0x3A00  }
0x16c: {  	[hbm4b:s1+s6] =	stream.indirect_vreg.scatter [tilespmem:s15], [sflag:$0x8], $0x80, v4, vm0, $0xb8;
	[tilespmem:$0x18200] =	vst v63  }
0x16d: {  	s16 =	simm.s32 $0x4200  }
0x16e: {  	[hbm4b:s0+s6] =	stream.indirect_vreg.scatter [tilespmem:s16], [sflag:$0x8], $0x80, v3, vm0, $0xb8;
	[tilespmem:$0x18200] =	vst v63  }
0x16f: {  	s4 =	simm.s32 $0x4A00  }
0x170: {  	[hbm4b:s24+s6] =	stream.indirect_vreg.scatter [tilespmem:s4], [sflag:$0x8], $0x80, v3, vm0, $0xb8;
	[tilespmem:$0x18200] =	vst v63  }
0x171: {  	s8 =	simm.s32 $0x5200  }
0x172: {  	[hbm4b:s26+s6] =	stream.indirect_vreg.scatter [tilespmem:s8], [sflag:$0x8], $0x80, v3, vm0, $0xb8;
	[tilespmem:$0x18200] =	vst v63  }
0x173: {  	s12 =	simm.s32 $0x5A00  }
0x174: {  	[hbm4b:s28+s6] =	stream.indirect_vreg.scatter [tilespmem:s12], [sflag:$0x8], $0x80, v3, vm0, $0xb8;
	[tilespmem:$0x18200] =	vst v63  }
0x175: {  	s13 =	simm.s32 $0x6200  }
0x176: {  	[hbm4b:s29+s6] =	stream.indirect_vreg.scatter [tilespmem:s13], [sflag:$0x8], $0x80, v3, vm0, $0xb8;
	[tilespmem:$0x18200] =	vst v63  }
0x177: {  	s14 =	simm.s32 $0x6A00  }
0x178: {  	[hbm4b:s30+s6] =	stream.indirect_vreg.scatter [tilespmem:s14], [sflag:$0x8], $0x80, v3, vm0, $0xb8;
	[tilespmem:$0x18200] =	vst v63  }
0x179: {  	s15 =	simm.s32 $0x7200  }
0x17a: {  	[hbm4b:s31+s6] =	stream.indirect_vreg.scatter [tilespmem:s15], [sflag:$0x8], $0x80, v3, vm0, $0xb8;
	[tilespmem:$0x18200] =	vst v63  }
0x17b: {  	s16 =	simm.s32 $0x7A00  }
0x17c: {  	[hbm4b:s1+s6] =	stream.indirect_vreg.scatter [tilespmem:s16], [sflag:$0x8], $0x80, v3, vm0, $0xb8;
	[tilespmem:$0x18200] =	vst v63  }
.LBB2_6:
0x17d: {  	s3 =	sadd.s32 $0x2, s7  }
0x17e: {  	p2 =	sge.s32 s3, s25  }
.Ltmp6:
0x17f: {  	_ = 	snop;
	(pc) =	sbr.rel @p2 .LBB2_8-.Ltmp6, $1  }
0x180: {  	_ =	sdelay $0x3  }
0x181: {  	s0 =	sadd.s32 $0x3, s7  }
0x182: {  	s4 =	simm.s32 $0x4;
	p2 =	sge.s32 s0, s25  }
0x183: {  	p3 =	slt.s32 @!p2 s0, s2;
	s0 =	rddreg [dreg:$0xf];
	_ =	swait.ge [sflag:s4], $0x10  }
0x184: {  	p3 =	por !p3, p2;
	[sflag:s4] =	ssyncset.done $0x0  }
0x185: {  	s8 =	simm.s32 $0x8;
	s0 =	simm.s32 @!p3 $0x0;
	[sflag:s4] =	ssyncadd.s32 $0xFFFFFFF0  }
0x186: {  	s0 =	sadd.s32 @!p2 s7, s0;
	_ =	swait.ge [sflag:s8], $0x8000  }
0x187: {  	s0 =	sshll.u32 @!p2 s0, $0x4;
	[sflag:s8] =	ssyncset.done $0x0  }
0x188: {  	s0 =	sadd.s32 @!p2 s9, s0;
	s4 =	rddreg [dreg:$0x0];
	[sflag:s8] =	ssyncadd.s32 $0xFFFF8000  }
0x189: {  	s0 =	sadd.s32 @!p2 $0x30, s0;
	s12 =	rddreg [dreg:$0x1]  }
0x18a: {  	s0 =	sshrl.u32 @!p2 s0, $0x3;
	s4 =	smov.u32 @p3 s12  }
0x18b: {  	s12 =	simm.s32 @!p2 $0x80;
	s0 =	sadd.s32 @!p2 s4, s0;
	s4 =	simm.s32 @!p2 $0x0  }
0x18c: {  	[tilespmem:s12], [sflag:$0x2] =	stream.linear.gather @!p2 [hbm4b:s0+s4], $0x10, $0x38;
	[tilespmem:$0x18200] =	vst v63  }
0x18d: {  	v3 =	vld [tilespmem:$0x180];
	_ =	sdelay $0x4  }
0x18e: {  	v4 =	vshll.u32 v3, $0x4  }
0x18f: {  	v3 =	vand.u32 $0x7, v3;
	v4 =	vand.u32 $0xFFFFFF80, v4  }
0x190: {  	v3 =	vor.u32 v3, v4  }
0x191: {  	v4 =	vperm.xlane v3, v0;
	_ =	sdelay $0x1  }
0x192: {  	v4 =	vadd.s32 v1, v4  }
0x193: {  	s0 =	rddreg [dreg:$0x4]  }
0x194: {  	p2 =	slt.s32 s3, s2;
	s3 =	rddreg [dreg:$0x3]  }
0x195: {  	s4 =	rddreg [dreg:$0xa]  }
0x196: {  	s8 =	simm.s32 $0x10200;
	s0 =	smov.u32 @p2 s3;
	s3 =	rddreg [dreg:$0x8]  }
0x197: {  	[tilespmem:s8], [sflag:$0x7] =	stream.indirect_vreg.gather [hbm4b:s0+s6], $0x80, v4, vm0, $0xb8;
	[tilespmem:$0x18200] =	vst v63  }
0x198: {  	s12 =	simm.s32 $0x10A00;
	s3 =	smov.u32 @p2 s4;
	s4 =	rddreg [dreg:$0x9]  }
0x199: {  	[tilespmem:s12], [sflag:$0x7] =	stream.indirect_vreg.gather [hbm4b:s3+s6], $0x80, v4, vm0, $0xb8;
	[tilespmem:$0x18200] =	vst v63  }
0x19a: {  	s12 =	rddreg [dreg:$0xb]  }
0x19b: {  	s13 =	simm.s32 $0x11200;
	s4 =	smov.u32 @p2 s12;
	s12 =	smov.u32 s5  }
0x19c: {  	[tilespmem:s13], [sflag:$0x7] =	stream.indirect_vreg.gather [hbm4b:s4+s6], $0x80, v4, vm0, $0xb8;
	[tilespmem:$0x18200] =	vst v63  }
0x19d: {  	s14 =	simm.s32 $0x11A00;
	s12 =	smov.u32 @p2 s19;
	s13 =	smov.u32 s17  }
0x19e: {  	[tilespmem:s14], [sflag:$0x7] =	stream.indirect_vreg.gather [hbm4b:s12+s6], $0x80, v4, vm0, $0xb8;
	[tilespmem:$0x18200] =	vst v63  }
0x19f: {  	s15 =	simm.s32 $0x12200;
	s13 =	smov.u32 @p2 s20;
	s14 =	smov.u32 s10  }
0x1a0: {  	[tilespmem:s15], [sflag:$0x7] =	stream.indirect_vreg.gather [hbm4b:s13+s6], $0x80, v4, vm0, $0xb8;
	[tilespmem:$0x18200] =	vst v63  }
0x1a1: {  	s16 =	simm.s32 $0x12A00;
	v3 =	vperm.xlane v3, v2;
	s14 =	smov.u32 @p2 s21;
	s15 =	smov.u32 s18  }
0x1a2: {  	[tilespmem:s16], [sflag:$0x7] =	stream.indirect_vreg.gather [hbm4b:s14+s6], $0x80, v4, vm0, $0xb8;
	[tilespmem:$0x18200] =	vst v63  }
0x1a3: {  	v3 =	vadd.s32 v1, v3;
	s8 =	simm.s32 $0x13200;
	s15 =	smov.u32 @p2 s22;
	s16 =	smov.u32 s11  }
0x1a4: {  	[tilespmem:s8], [sflag:$0x7] =	stream.indirect_vreg.gather [hbm4b:s15+s6], $0x80, v4, vm0, $0xb8;
	[tilespmem:$0x18200] =	vst v63  }
0x1a5: {  	s16 =	smov.u32 @p2 s23;
	s8 =	simm.s32 $0x13A00  }
0x1a6: {  	[tilespmem:s8], [sflag:$0x7] =	stream.indirect_vreg.gather [hbm4b:s16+s6], $0x80, v4, vm0, $0xb8;
	[tilespmem:$0x18200] =	vst v63  }
0x1a7: {  	s8 =	simm.s32 $0x14200  }
0x1a8: {  	[tilespmem:s8], [sflag:$0x7] =	stream.indirect_vreg.gather [hbm4b:s0+s6], $0x80, v3, vm0, $0xb8;
	[tilespmem:$0x18200] =	vst v63  }
0x1a9: {  	s8 =	simm.s32 $0x14A00  }
0x1aa: {  	[tilespmem:s8], [sflag:$0x7] =	stream.indirect_vreg.gather [hbm4b:s3+s6], $0x80, v3, vm0, $0xb8;
	[tilespmem:$0x18200] =	vst v63  }
0x1ab: {  	s8 =	simm.s32 $0x15200  }
0x1ac: {  	[tilespmem:s8], [sflag:$0x7] =	stream.indirect_vreg.gather [hbm4b:s4+s6], $0x80, v3, vm0, $0xb8;
	[tilespmem:$0x18200] =	vst v63  }
0x1ad: {  	s3 =	simm.s32 $0x15A00  }
0x1ae: {  	[tilespmem:s3], [sflag:$0x7] =	stream.indirect_vreg.gather [hbm4b:s12+s6], $0x80, v3, vm0, $0xb8;
	[tilespmem:$0x18200] =	vst v63  }
0x1af: {  	s4 =	simm.s32 $0x16200  }
0x1b0: {  	[tilespmem:s4], [sflag:$0x7] =	stream.indirect_vreg.gather [hbm4b:s13+s6], $0x80, v3, vm0, $0xb8;
	[tilespmem:$0x18200] =	vst v63  }
0x1b1: {  	s8 =	simm.s32 $0x16A00  }
0x1b2: {  	[tilespmem:s8], [sflag:$0x7] =	stream.indirect_vreg.gather [hbm4b:s14+s6], $0x80, v3, vm0, $0xb8;
	[tilespmem:$0x18200] =	vst v63  }
0x1b3: {  	s12 =	simm.s32 $0x17200  }
0x1b4: {  	[tilespmem:s12], [sflag:$0x7] =	stream.indirect_vreg.gather [hbm4b:s15+s6], $0x80, v3, vm0, $0xb8;
	[tilespmem:$0x18200] =	vst v63  }
0x1b5: {  	s13 =	simm.s32 $0x17A00;
	s14 =	simm.s32 $0x6  }
0x1b6: {  	[tilespmem:s13], [sflag:$0x7] =	stream.indirect_vreg.gather [hbm4b:s16+s6], $0x80, v3, vm0, $0xb8;
	[tilespmem:$0x18200] =	vst v63  }
0x1b7: {  	_ =	swait.ge [sflag:s14], $0x8000  }
0x1b8: {  	[sflag:s14] =	ssyncset.done $0x0  }
0x1b9: {  	[sflag:s14] =	ssyncadd.s32 $0xFFFF8000  }
0x1ba: {  	v3 =	vld [tilespmem:$0x100];
	_ =	sdelay $0x4  }
0x1bb: {  	v63 =	vshll.u32 v3, $0x4  }
0x1bc: {  	v3 =	vand.u32 $0x7, v3;
	v4 =	vand.u32 $0xFFFFFF80, v63  }
0x1bd: {  	v3 =	vor.u32 v3, v4  }
0x1be: {  	v4 =	vperm.xlane v3, v0;
	_ =	sdelay $0x1  }
0x1bf: {  	v4 =	vadd.s32 v1, v4;
	_ =	sdelay $0x3  }
0x1c0: {  	s15 =	simm.s32 $0x8200;
	s0 =	rddreg [dreg:$0x5]  }
0x1c1: {  	[hbm4b:s0+s6] =	stream.indirect_vreg.scatter [tilespmem:s15], [sflag:$0x9], $0x80, v4, vm0, $0xb8;
	[tilespmem:$0x18200] =	vst v63  }
0x1c2: {  	s16 =	simm.s32 $0x8A00  }
0x1c3: {  	[hbm4b:s24+s6] =	stream.indirect_vreg.scatter [tilespmem:s16], [sflag:$0x9], $0x80, v4, vm0, $0xb8;
	[tilespmem:$0x18200] =	vst v63  }
0x1c4: {  	s4 =	simm.s32 $0x9200  }
0x1c5: {  	[hbm4b:s26+s6] =	stream.indirect_vreg.scatter [tilespmem:s4], [sflag:$0x9], $0x80, v4, vm0, $0xb8;
	[tilespmem:$0x18200] =	vst v63  }
0x1c6: {  	s8 =	simm.s32 $0x9A00  }
0x1c7: {  	[hbm4b:s28+s6] =	stream.indirect_vreg.scatter [tilespmem:s8], [sflag:$0x9], $0x80, v4, vm0, $0xb8;
	[tilespmem:$0x18200] =	vst v63  }
0x1c8: {  	s12 =	simm.s32 $0xA200  }
0x1c9: {  	[hbm4b:s29+s6] =	stream.indirect_vreg.scatter [tilespmem:s12], [sflag:$0x9], $0x80, v4, vm0, $0xb8;
	[tilespmem:$0x18200] =	vst v63  }
0x1ca: {  	s13 =	simm.s32 $0xAA00;
	v3 =	vperm.xlane v3, v2  }
0x1cb: {  	[hbm4b:s30+s6] =	stream.indirect_vreg.scatter [tilespmem:s13], [sflag:$0x9], $0x80, v4, vm0, $0xb8;
	[tilespmem:$0x18200] =	vst v63  }
0x1cc: {  	s14 =	simm.s32 $0xB200;
	v3 =	vadd.s32 v1, v3  }
0x1cd: {  	[hbm4b:s31+s6] =	stream.indirect_vreg.scatter [tilespmem:s14], [sflag:$0x9], $0x80, v4, vm0, $0xb8;
	[tilespmem:$0x18200] =	vst v63  }
0x1ce: {  	s15 =	simm.s32 $0xBA00  }
0x1cf: {  	[hbm4b:s1+s6] =	stream.indirect_vreg.scatter [tilespmem:s15], [sflag:$0x9], $0x80, v4, vm0, $0xb8;
	[tilespmem:$0x18200] =	vst v63  }
0x1d0: {  	s16 =	simm.s32 $0xC200  }
0x1d1: {  	[hbm4b:s0+s6] =	stream.indirect_vreg.scatter [tilespmem:s16], [sflag:$0x9], $0x80, v3, vm0, $0xb8;
	[tilespmem:$0x18200] =	vst v63  }
0x1d2: {  	s4 =	simm.s32 $0xCA00  }
0x1d3: {  	[hbm4b:s24+s6] =	stream.indirect_vreg.scatter [tilespmem:s4], [sflag:$0x9], $0x80, v3, vm0, $0xb8;
	[tilespmem:$0x18200] =	vst v63  }
0x1d4: {  	s8 =	simm.s32 $0xD200  }
0x1d5: {  	[hbm4b:s26+s6] =	stream.indirect_vreg.scatter [tilespmem:s8], [sflag:$0x9], $0x80, v3, vm0, $0xb8;
	[tilespmem:$0x18200] =	vst v63  }
0x1d6: {  	s12 =	simm.s32 $0xDA00  }
0x1d7: {  	[hbm4b:s28+s6] =	stream.indirect_vreg.scatter [tilespmem:s12], [sflag:$0x9], $0x80, v3, vm0, $0xb8;
	[tilespmem:$0x18200] =	vst v63  }
0x1d8: {  	s13 =	simm.s32 $0xE200  }
0x1d9: {  	[hbm4b:s29+s6] =	stream.indirect_vreg.scatter [tilespmem:s13], [sflag:$0x9], $0x80, v3, vm0, $0xb8;
	[tilespmem:$0x18200] =	vst v63  }
0x1da: {  	s14 =	simm.s32 $0xEA00  }
0x1db: {  	[hbm4b:s30+s6] =	stream.indirect_vreg.scatter [tilespmem:s14], [sflag:$0x9], $0x80, v3, vm0, $0xb8;
	[tilespmem:$0x18200] =	vst v63  }
.Ltmp7:
0x1dc: {  	_ = 	snop;
	(pc) =	sbr.rel .LBB2_8-.Ltmp7, $4  }
0x1dd: {  	s15 =	simm.s32 $0xF200  }
0x1de: {  	[hbm4b:s31+s6] =	stream.indirect_vreg.scatter [tilespmem:s15], [sflag:$0x9], $0x80, v3, vm0, $0xb8;
	[tilespmem:$0x18200] =	vst v63  }
0x1df: {  	s16 =	simm.s32 $0xFA00  }
0x1e0: {  	[hbm4b:s1+s6] =	stream.indirect_vreg.scatter [tilespmem:s16], [sflag:$0x9], $0x80, v3, vm0, $0xb8;
	[tilespmem:$0x18200] =	vst v63  }
.LBB2_9:
0x1e1: {  	s7 =	rddreg [dreg:$0xe]  }
0x1e2: {  	s0 =	sadd.s32 $0x1F, s7  }
0x1e3: {  	s2 =	smulhi.u32 $0x55555556, s0;
	s3 =	sshra.s32 s0, $0x1F  }
0x1e4: {  	s3 =	smul.u32 $0x55555556, s3;
	_ =	sdelay $0x1  }
0x1e5: {  	s2 =	sadd.s32 s3, s2  }
0x1e6: {  	s3 =	sshrl.u32 s2, $0x1F  }
0x1e7: {  	s2 =	sadd.s32 s3, s2  }
0x1e8: {  	s2 =	smul.u32 $0x3, s2;
	_ =	sdelay $0x1  }
0x1e9: {  	s2 =	ssub.s32 s0, s2  }
0x1ea: {  	p2 =	slt.s32 s2, $0x0;
	s0 =	sadd.s32 $0x3, s2  }
0x1eb: {  	s2 =	smov.u32 @p2 s0  }
0x1ec: {  	p2 =	seq.s32 s2, $0x2  }
.Ltmp8:
0x1ed: {  	_ = 	snop;
	(pc) =	sbr.rel @p2 .LBB2_13-.Ltmp8, $1  }
0x1ee: {  	_ =	sdelay $0x3  }
0x1ef: {  	p2 =	seq.s32 s2, $0x1  }
.Ltmp9:
0x1f0: {  	_ = 	snop;
	(pc) =	sbr.rel @p2 .LBB2_12-.Ltmp9, $1  }
0x1f1: {  	_ =	sdelay $0x3  }
0x1f2: {  	p2 =	sne.s32 s2, $0x0  }
0x1f3: {  	s0 =	simm.s32 @!p2 $0x5  }
0x1f4: {  	_ =	swait.ge @!p2 [sflag:s0], $0x8000  }
0x1f5: {  	[sflag:s0] =	ssyncset.done @!p2 $0x0  }
0x1f6: {  	[sflag:s0] =	ssyncadd.s32 @!p2 $0xFFFF8000  }
0x1f7: {  	v3 =	vld @!p2 [tilespmem:$0x80];
	_ =	sdelay $0x4  }
0x1f8: {  	v4 =	vshll.u32 @!p2 v3, $0x4  }
0x1f9: {  	v5 =	vlaneseq.u32 @!p2;
	v3 =	vand.u32 @!p2 $0x7, v3;
	v4 =	vand.u32 @!p2 $0xFFFFFF80, v4  }
0x1fa: {  	v6 =	vshrl.u32 @!p2 v5, $0x3;
	v3 =	vor.u32 @!p2 v3, v4;
	v4 =	vand.u32 @!p2 $0x7, v5  }
0x1fb: {  	v6 =	vmul.u32 @!p2 $0x8, v6;
	v4 =	vperm.xlane @!p2 v3, v4;
	_ =	sdelay $0x1  }
0x1fc: {  	v4 =	vadd.s32 @!p2 v6, v4;
	_ =	sdelay $0x3  }
0x1fd: {  	vm1 =	vmmov @!p2 $0xffff;
	s3 =	simm.s32 @!p2 $0x200;
	s0 =	simm.s32 @!p2 $0x0;
	s4 =	rddreg [dreg:$0x5]  }
0x1fe: {  	[hbm4b:s4+s0] =	stream.indirect_vreg.scatter @!p2 [tilespmem:s3], [sflag:$0x8], $0x80, v4, vm1, $0xb8;
	[tilespmem:$0x18200] =	vst v63  }
0x1ff: {  	s3 =	simm.s32 @!p2 $0xA00  }
0x200: {  	[hbm4b:s24+s0] =	stream.indirect_vreg.scatter @!p2 [tilespmem:s3], [sflag:$0x8], $0x80, v4, vm1, $0xb8;
	[tilespmem:$0x18200] =	vst v63  }
0x201: {  	s3 =	simm.s32 @!p2 $0x1200  }
0x202: {  	[hbm4b:s26+s0] =	stream.indirect_vreg.scatter @!p2 [tilespmem:s3], [sflag:$0x8], $0x80, v4, vm1, $0xb8;
	[tilespmem:$0x18200] =	vst v63  }
0x203: {  	s3 =	simm.s32 @!p2 $0x1A00  }
0x204: {  	[hbm4b:s28+s0] =	stream.indirect_vreg.scatter @!p2 [tilespmem:s3], [sflag:$0x8], $0x80, v4, vm1, $0xb8;
	[tilespmem:$0x18200] =	vst v63  }
0x205: {  	s3 =	simm.s32 @!p2 $0x2200  }
0x206: {  	v5 =	vor.u32 @!p2 $0x8, v5;
	[hbm4b:s29+s0] =	stream.indirect_vreg.scatter @!p2 [tilespmem:s3], [sflag:$0x8], $0x80, v4, vm1, $0xb8;
	[tilespmem:$0x18200] =	vst v63  }
0x207: {  	v3 =	vperm.xlane @!p2 v3, v5;
	s3 =	simm.s32 @!p2 $0x2A00  }
0x208: {  	[hbm4b:s30+s0] =	stream.indirect_vreg.scatter @!p2 [tilespmem:s3], [sflag:$0x8], $0x80, v4, vm1, $0xb8;
	[tilespmem:$0x18200] =	vst v63  }
0x209: {  	v3 =	vadd.s32 @!p2 v6, v3;
	s3 =	simm.s32 @!p2 $0x3200  }
0x20a: {  	[hbm4b:s31+s0] =	stream.indirect_vreg.scatter @!p2 [tilespmem:s3], [sflag:$0x8], $0x80, v4, vm1, $0xb8;
	[tilespmem:$0x18200] =	vst v63  }
0x20b: {  	s3 =	simm.s32 @!p2 $0x3A00  }
0x20c: {  	[hbm4b:s1+s0] =	stream.indirect_vreg.scatter @!p2 [tilespmem:s3], [sflag:$0x8], $0x80, v4, vm1, $0xb8;
	[tilespmem:$0x18200] =	vst v63  }
0x20d: {  	s3 =	simm.s32 @!p2 $0x4200  }
0x20e: {  	[hbm4b:s4+s0] =	stream.indirect_vreg.scatter @!p2 [tilespmem:s3], [sflag:$0x8], $0x80, v3, vm1, $0xb8;
	[tilespmem:$0x18200] =	vst v63  }
0x20f: {  	s3 =	simm.s32 @!p2 $0x4A00  }
0x210: {  	[hbm4b:s24+s0] =	stream.indirect_vreg.scatter @!p2 [tilespmem:s3], [sflag:$0x8], $0x80, v3, vm1, $0xb8;
	[tilespmem:$0x18200] =	vst v63  }
0x211: {  	s3 =	simm.s32 @!p2 $0x5200  }
0x212: {  	[hbm4b:s26+s0] =	stream.indirect_vreg.scatter @!p2 [tilespmem:s3], [sflag:$0x8], $0x80, v3, vm1, $0xb8;
	[tilespmem:$0x18200] =	vst v63  }
0x213: {  	s3 =	simm.s32 @!p2 $0x5A00  }
0x214: {  	[hbm4b:s28+s0] =	stream.indirect_vreg.scatter @!p2 [tilespmem:s3], [sflag:$0x8], $0x80, v3, vm1, $0xb8;
	[tilespmem:$0x18200] =	vst v63  }
0x215: {  	s3 =	simm.s32 @!p2 $0x6200  }
0x216: {  	[hbm4b:s29+s0] =	stream.indirect_vreg.scatter @!p2 [tilespmem:s3], [sflag:$0x8], $0x80, v3, vm1, $0xb8;
	[tilespmem:$0x18200] =	vst v63  }
0x217: {  	s3 =	simm.s32 @!p2 $0x6A00  }
0x218: {  	[hbm4b:s30+s0] =	stream.indirect_vreg.scatter @!p2 [tilespmem:s3], [sflag:$0x8], $0x80, v3, vm1, $0xb8;
	[tilespmem:$0x18200] =	vst v63  }
.Ltmp10:
0x219: {  	p3 =	por $0x0, $0x0;
	(pc) =	sbr.rel .LBB2_14-.Ltmp10, $4  }
0x21a: {  	p4 =	por $0x0, $0x0;
	p5 =	por @!p2 $0x0, $0x0;
	s3 =	simm.s32 @!p2 $0x7200  }
0x21b: {  	[hbm4b:s31+s0] =	stream.indirect_vreg.scatter @!p2 [tilespmem:s3], [sflag:$0x8], $0x80, v3, vm1, $0xb8;
	[tilespmem:$0x18200] =	vst v63  }
0x21c: {  	p3 =	por @!p2 p5, p5;
	p4 =	por @!p2 p5, p5;
	s3 =	simm.s32 @!p2 $0x7A00  }
0x21d: {  	[hbm4b:s1+s0] =	stream.indirect_vreg.scatter @!p2 [tilespmem:s3], [sflag:$0x8], $0x80, v3, vm1, $0xb8;
	[tilespmem:$0x18200] =	vst v63  }
.LBB2_13:
0x21e: {  	s0 =	simm.s32 $0x7  }
0x21f: {  	_ =	swait.ge [sflag:s0], $0x8000  }
0x220: {  	[sflag:s0] =	ssyncset.done $0x0  }
0x221: {  	[sflag:s0] =	ssyncadd.s32 $0xFFFF8000  }
0x222: {  	v3 =	vld [tilespmem:$0x180];
	_ =	sdelay $0x4  }
0x223: {  	v4 =	vshll.u32 v3, $0x4  }
0x224: {  	v3 =	vand.u32 $0x7, v3;
	v4 =	vand.u32 $0xFFFFFF80, v4  }
0x225: {  	v3 =	vor.u32 v3, v4  }
0x226: {  	v4 =	vperm.xlane v3, v0;
	_ =	sdelay $0x1  }
0x227: {  	v4 =	vadd.s32 v1, v4;
	_ =	sdelay $0x3  }
0x228: {  	s3 =	simm.s32 $0x10200;
	s0 =	rddreg [dreg:$0x5]  }
0x229: {  	[hbm4b:s0+s6] =	stream.indirect_vreg.scatter [tilespmem:s3], [sflag:$0xA], $0x80, v4, vm0, $0xb8;
	[tilespmem:$0x18200] =	vst v63  }
0x22a: {  	s8 =	simm.s32 $0x10A00  }
0x22b: {  	[hbm4b:s24+s6] =	stream.indirect_vreg.scatter [tilespmem:s8], [sflag:$0xA], $0x80, v4, vm0, $0xb8;
	[tilespmem:$0x18200] =	vst v63  }
0x22c: {  	s12 =	simm.s32 $0x11200  }
0x22d: {  	[hbm4b:s26+s6] =	stream.indirect_vreg.scatter [tilespmem:s12], [sflag:$0xA], $0x80, v4, vm0, $0xb8;
	[tilespmem:$0x18200] =	vst v63  }
0x22e: {  	s13 =	simm.s32 $0x11A00  }
0x22f: {  	[hbm4b:s28+s6] =	stream.indirect_vreg.scatter [tilespmem:s13], [sflag:$0xA], $0x80, v4, vm0, $0xb8;
	[tilespmem:$0x18200] =	vst v63  }
0x230: {  	s14 =	simm.s32 $0x12200  }
0x231: {  	[hbm4b:s29+s6] =	stream.indirect_vreg.scatter [tilespmem:s14], [sflag:$0xA], $0x80, v4, vm0, $0xb8;
	[tilespmem:$0x18200] =	vst v63  }
0x232: {  	s15 =	simm.s32 $0x12A00;
	v3 =	vperm.xlane v3, v2  }
0x233: {  	[hbm4b:s30+s6] =	stream.indirect_vreg.scatter [tilespmem:s15], [sflag:$0xA], $0x80, v4, vm0, $0xb8;
	[tilespmem:$0x18200] =	vst v63  }
0x234: {  	s16 =	simm.s32 $0x13200;
	v3 =	vadd.s32 v1, v3  }
0x235: {  	[hbm4b:s31+s6] =	stream.indirect_vreg.scatter [tilespmem:s16], [sflag:$0xA], $0x80, v4, vm0, $0xb8;
	[tilespmem:$0x18200] =	vst v63  }
0x236: {  	s25 =	simm.s32 $0x13A00  }
0x237: {  	[hbm4b:s1+s6] =	stream.indirect_vreg.scatter [tilespmem:s25], [sflag:$0xA], $0x80, v4, vm0, $0xb8;
	[tilespmem:$0x18200] =	vst v63  }
0x238: {  	s4 =	simm.s32 $0x14200  }
0x239: {  	[hbm4b:s0+s6] =	stream.indirect_vreg.scatter [tilespmem:s4], [sflag:$0xA], $0x80, v3, vm0, $0xb8;
	[tilespmem:$0x18200] =	vst v63  }
0x23a: {  	s8 =	simm.s32 $0x14A00  }
0x23b: {  	[hbm4b:s24+s6] =	stream.indirect_vreg.scatter [tilespmem:s8], [sflag:$0xA], $0x80, v3, vm0, $0xb8;
	[tilespmem:$0x18200] =	vst v63  }
0x23c: {  	s12 =	simm.s32 $0x15200  }
0x23d: {  	[hbm4b:s26+s6] =	stream.indirect_vreg.scatter [tilespmem:s12], [sflag:$0xA], $0x80, v3, vm0, $0xb8;
	[tilespmem:$0x18200] =	vst v63  }
0x23e: {  	s13 =	simm.s32 $0x15A00  }
0x23f: {  	[hbm4b:s28+s6] =	stream.indirect_vreg.scatter [tilespmem:s13], [sflag:$0xA], $0x80, v3, vm0, $0xb8;
	[tilespmem:$0x18200] =	vst v63  }
0x240: {  	s14 =	simm.s32 $0x16200  }
0x241: {  	[hbm4b:s29+s6] =	stream.indirect_vreg.scatter [tilespmem:s14], [sflag:$0xA], $0x80, v3, vm0, $0xb8;
	[tilespmem:$0x18200] =	vst v63  }
0x242: {  	s15 =	simm.s32 $0x16A00  }
0x243: {  	[hbm4b:s30+s6] =	stream.indirect_vreg.scatter [tilespmem:s15], [sflag:$0xA], $0x80, v3, vm0, $0xb8;
	[tilespmem:$0x18200] =	vst v63  }
.Ltmp11:
0x244: {  	_ = 	snop;
	(pc) =	sbr.rel .LBB2_14-.Ltmp11, $4  }
0x245: {  	s16 =	simm.s32 $0x17200  }
0x246: {  	[hbm4b:s31+s6] =	stream.indirect_vreg.scatter [tilespmem:s16], [sflag:$0xA], $0x80, v3, vm0, $0xb8;
	[tilespmem:$0x18200] =	vst v63  }
0x247: {  	p4 =	por $0x0, $0x0;
	p3 =	por $0x1, $0x1;
	s25 =	simm.s32 $0x17A00  }
0x248: {  	[hbm4b:s1+s6] =	stream.indirect_vreg.scatter [tilespmem:s25], [sflag:$0xA], $0x80, v3, vm0, $0xb8;
	[tilespmem:$0x18200] =	vst v63  }
.LBB2_15:
0x249: {  	_ =	sfence.sel $0x180000  }
0x24a: {  	[bflag:$0x0] =	sbarrier.arrive $0xFFFF  }
0x24b: {  	_ =	strace $0x90000047  }
0x24c: {  	s0 =	stileid.u32;
	[bflag:$0x2] =	sbarrier.arrive $0xFFFF  }
0x24d: {  	p0 =	sne.s32 s0, $0x0;
	s0 =	rddreg [dreg:$0x6]  }
0x24e: {  	s0 =	sadd.s32 @!p0 $0x100000, s0  }
0x24f: {  	[sflag:s0] =	ssyncadd.tile.s32 @!p0 $0x1;
	_ =	shalt  }
.Lfunc_end2:
_tile_overlayer_lowered:
.L_overlay_start_2:
0x250: {  	(tag) =	ssettag $0x2  }
0x251: {  	s0 =	rddreg [dreg:$0x0];
	s2 =	stileid.u32  }
0x252: {  	s1 =	rddreg [dreg:$0x1];
	p0 =	sne.s32 s2, $0x0  }
0x253: {  	s3 =	rddreg [dreg:$0x2];
	[bflag:$0x3] =	sbarrier.arrive $0xFFFF;
	s2 =	simm.s32 @!p0 $0x1C0B  }
0x254: {  	[timem:s3], [sflag:s2] =	dma.local @!p0 [hbm:s0], s1  }
0x255: {  	s0 =	simm.s32 @!p0 $0xB  }
0x256: {  	_ =	swait.ge @!p0 [sflag:s0], s1  }
0x257: {  	s1 =	ssub.s32 @!p0 $0x0, s1;
	[sflag:s0] =	ssyncset.done @!p0 $0x0  }
0x258: {  	[sflag:s0] =	ssyncadd.s32 @!p0 s1  }
0x259: {  	[bflag:$0x3] =	sbarrier.arrive $0xFFFF  }
0x25a: {  	_ =	shalt  }

</sc_bundles>
